<compile_context>
chip_gen: v7x
topology: tpu7x:2x2x1
jax: 0.10.2.dev20260603
libtpu: 0.0.44.dev20260713+nightly
codegen_flags: <defaults>
</compile_context>

<pallas_src>
import functools

import jax
import jax.numpy as jnp
from jax import lax
from jax.experimental import pallas as pl
from jax.experimental.pallas import tpu as pltpu
from jax.experimental.pallas import tpu_sc as plsc

DIM = 300
BATCH = 16384
VOCAB = 75000

_NC, _NS = 2, 16
NW = _NC * _NS
_G = 16


@functools.cache
def _sc_sweep_fn():
    mesh = plsc.VectorSubcoreMesh(core_axis_name="c", subcore_axis_name="s")

    @functools.partial(
        pl.kernel,
        mesh=mesh,
        compiler_params=pltpu.CompilerParams(needs_layout_passes=False),
        out_type=[
            jax.ShapeDtypeStruct((DIM, BATCH), jnp.float32),
            jax.ShapeDtypeStruct((DIM, 2 * BATCH), jnp.float32),
        ],
        scratch_types=[
            pltpu.VMEM((VOCAB,), jnp.float32),
            pltpu.VMEM((BATCH,), jnp.int32),
            pltpu.VMEM((BATCH,), jnp.float32),
            pltpu.VMEM((BATCH,), jnp.float32),
            pltpu.SemaphoreType.DMA,
            pltpu.SemaphoreType.DMA,
        ],
    )
    def _sc_sweep(src_t, tgt_t, src_idx, tgt_idx, src_out, full_out,
                  row_v, idx_v, out0, out1, sem0, sem1):
        wid = lax.axis_index("s") * _NC + lax.axis_index("c")
        out_bufs = (out0, out1)
        sems = (sem0, sem1)
        n_rows = (DIM - 1) // NW + 1
        for tab, idx, write_out in (
                (src_t, src_idx, lambda d: src_out.at[d]),
                (tgt_t, tgt_idx, lambda d: full_out.at[d, pl.ds(BATCH,
                                                                BATCH)])):
            pltpu.sync_copy(idx, idx_v)

            @pl.loop(0, n_rows, step=2)
            def _(r0):
                for half in range(2):
                    r = r0 + half
                    d = wid + r * NW

                    @pl.when(d < DIM)
                    def _():
                        pltpu.sync_copy(tab.at[d], row_v)

                        @pl.when(r >= 2)
                        def _():
                            pltpu.make_async_copy(
                                out_bufs[half], write_out(d),
                                sems[half]).wait()

                        W = 8

                        @pl.loop(0, BATCH // (_G * W))
                        def _(g):
                            vecs = [idx_v[pl.ds((g * W + k) * _G, _G)]
                                    for k in range(W)]
                            res = [plsc.load_gather(row_v, [v])
                                   for v in vecs]
                            for k in range(W):
                                out_bufs[half][
                                    pl.ds((g * W + k) * _G, _G)] = res[k]

                        pltpu.async_copy(out_bufs[half], write_out(d),
                                         sems[half])

            for half in range(2):
                pltpu.make_async_copy(out_bufs[half], write_out(0),
                                      sems[half]).wait()

    return _sc_sweep


BN = 2048


def _mm_t_body(src_ref, we_ref, wd_ref, b_ref, full_ref, ot_ref,
               m_ref, bv_ref):
    del full_ref
    @pl.when(pl.program_id(0) == 0)
    def _():
        m_ref[...] = lax.dot_general(
            we_ref[...], wd_ref[...],
            dimension_numbers=(((0,), (0,)), ((), ())),
            preferred_element_type=jnp.float32)
        bv_ref[...] = lax.dot_general(
            wd_ref[...], b_ref[...],
            dimension_numbers=(((0,), (1,)), ((), ())),
            preferred_element_type=jnp.float32)

    ot_ref[...] = lax.dot_general(
        m_ref[...].astype(jnp.bfloat16),
        src_ref[...].astype(jnp.bfloat16),
        dimension_numbers=(((0,), (0,)), ((), ())),
        preferred_element_type=jnp.float32) + bv_ref[...]


_mm_t = pl.pallas_call(
    _mm_t_body,
    grid=(BATCH // BN,),
    in_specs=[
        pl.BlockSpec((DIM, BN), lambda i: (0, i)),
        pl.BlockSpec((DIM, DIM), lambda i: (0, 0)),
        pl.BlockSpec((DIM, DIM), lambda i: (0, 0)),
        pl.BlockSpec((1, DIM), lambda i: (0, 0)),
        pl.BlockSpec(memory_space=pltpu.MemorySpace.HBM),
    ],
    out_specs=pl.BlockSpec((DIM, BN), lambda i: (0, i)),
    out_shape=jax.ShapeDtypeStruct((DIM, 2 * BATCH), jnp.float32),
    input_output_aliases={4: 0},
    scratch_shapes=[
        pltpu.VMEM((DIM, DIM), jnp.float32),
        pltpu.VMEM((DIM, 1), jnp.float32),
    ],
)


def kernel(emb_src, emb_tgt, W_enc, b_enc, W_dec, src_id, tgt_id):
    src_t, full_t = _sc_sweep_fn()(
        jnp.transpose(emb_src), jnp.transpose(emb_tgt),
        src_id.astype(jnp.int32), tgt_id.astype(jnp.int32))
    out_t = _mm_t(src_t, W_enc, W_dec, b_enc.reshape(1, DIM), full_t)
    return jnp.transpose(out_t)

# --- scband reference (transcript-rebuilt; emitter-appended) ---
"""Pipeline reference for scband-umwe-2473901162955 (READ-ONLY COPY).

The authoritative reference and input builder live on the scoring server;
editing this copy changes nothing except your own understanding.
"""

import jax, jax.numpy as jnp
import numpy as np

DIM = 300
VOCAB = 75000
BATCH = 16384


def setup_inputs(seed: int = 0) -> dict:
    key = jax.random.key(seed)
    k1, k2, k3, k4, k5, k6 = jax.random.split(key, 6)
    src_id = jax.random.randint(k1, (BATCH,), 0, VOCAB)
    tgt_id = jax.random.randint(k2, (BATCH,), 0, VOCAB)
    # sparse embedding tables for source ('es') and target ('en') languages
    emb_src = jax.random.normal(k3, (VOCAB, DIM), dtype=jnp.float32) * 0.1
    emb_tgt = jax.random.normal(k4, (VOCAB, DIM), dtype=jnp.float32) * 0.1
    # encdec Linear layers, initialized near identity as in build_model
    W_enc = jnp.eye(DIM, dtype=jnp.float32) + 0.01 * jax.random.normal(k5, (DIM, DIM), dtype=jnp.float32)
    b_enc = jnp.zeros((DIM,), dtype=jnp.float32)
    W_dec = jnp.eye(DIM, dtype=jnp.float32) + 0.01 * jax.random.normal(k6, (DIM, DIM), dtype=jnp.float32)
    return {
        "emb_src": emb_src,
        "emb_tgt": emb_tgt,
        "W_enc": W_enc,
        "b_enc": b_enc,
        "W_dec": W_dec,
        "src_id": src_id,
        "tgt_id": tgt_id,
    }


def reference(emb_src, emb_tgt, W_enc, b_enc, W_dec, src_id, tgt_id):
    # core forward computation from UMWE.discrim_step / mapping_step:
    #   src_emb = self.embs[enc_lang](src_id)
    #   tgt_emb = self.embs[dec_lang](tgt_id)
    #   src_emb = self.encdec[enc_lang](src_emb)          # Linear: x @ W.T + b
    #   src_emb = F.linear(src_emb, encdec[dec].weight.t()) # x @ (W.t()).T = x @ W
    #   x_to_disc = torch.cat([src_emb, tgt_emb], 0)
    src_emb = jnp.take(emb_src, src_id, axis=0)
    tgt_emb = jnp.take(emb_tgt, tgt_id, axis=0)
    src_emb = src_emb @ W_enc.T + b_enc
    src_emb = src_emb @ W_dec
    x_to_disc = jnp.concatenate([src_emb, tgt_emb], axis=0)
    return x_to_disc

if __name__ == "__main__":
    import jax
    _d = setup_inputs()
    print(jax.jit(kernel)(*tuple(_d.values())))

</pallas_src>

<mosaic_0001>
#map = affine_map<(d0, d1) -> (0, 0)>
#map1 = affine_map<(d0, d1) -> (0)>
module attributes {stable_mosaic.version = 14 : i64} {
  func.func @_sc_sweep(%arg0: i32, %arg1: i32, %arg2: memref<300x75000xf32, #tpu.memory_space<hbm>>, %arg3: memref<300x75000xf32, #tpu.memory_space<hbm>>, %arg4: memref<16384xi32, #tpu.memory_space<hbm>>, %arg5: memref<16384xi32, #tpu.memory_space<hbm>>, %arg6: memref<300x16384xf32, #tpu.memory_space<hbm>>, %arg7: memref<300x32768xf32, #tpu.memory_space<hbm>>, %arg8: memref<75000xf32, #tpu.memory_space<vmem>>, %arg9: memref<16384xi32, #tpu.memory_space<vmem>>, %arg10: memref<16384xf32, #tpu.memory_space<vmem>>, %arg11: memref<16384xf32, #tpu.memory_space<vmem>>, %arg12: memref<!tpu.dma_semaphore, #tpu.memory_space<semaphore_mem>>, %arg13: memref<!tpu.dma_semaphore, #tpu.memory_space<semaphore_mem>>) attributes {dimension_semantics = [#tpu.dimension_semantics<core_parallel>, #tpu.dimension_semantics<subcore_parallel>], iteration_bounds = array<i64: 2, 16>, scalar_prefetch = 0 : i64, scratch_operands = 6 : i64, tpu.core_type = #tpu.core_type<sc_vector_subcore>, window_params = [{transform_indices = #map}, {transform_indices = #map}, {transform_indices = #map1}, {transform_indices = #map1}, {transform_indices = #map}, {transform_indices = #map}]} {
    %mul3A = arith.constant 2 : i32
    %mul3A_0 = arith.muli %arg1, %mul3A : i32
    %add3A = arith.addi %mul3A_0, %arg0 : i32
    "tpu.region"() ({
      %run_scoped3A = tpu.sem_alloc : memref<!tpu.dma_semaphore, #tpu.memory_space<semaphore_mem>>
      tpu.enqueue_dma source(%arg4 : memref<16384xi32, #tpu.memory_space<hbm>>) target(%arg9 : memref<16384xi32, #tpu.memory_space<vmem>>) target_semaphore(%run_scoped3A : memref<!tpu.dma_semaphore, #tpu.memory_space<semaphore_mem>>)
      tpu.wait_dma2 semaphore(%run_scoped3A : memref<!tpu.dma_semaphore, #tpu.memory_space<semaphore_mem>>) src(%arg4 : memref<16384xi32, #tpu.memory_space<hbm>>) dst(%arg9 : memref<16384xi32, #tpu.memory_space<vmem>>)
      tpu.yield
    }) : () -> ()
    %scan3A = arith.constant 0 : i32
    %scan3A_1 = arith.constant 5 : i32
    %scan3A_2 = arith.addi %scan3A, %scan3A_1 : i32
    %scan3A_3 = arith.constant 1 : i32
    scf.for %scan3A_37 = %scan3A to %scan3A_2 step %scan3A_3  : i32 {
      %mul3A_38 = arith.constant 2 : i32
      %mul3A_39 = arith.muli %scan3A_37, %mul3A_38 : i32
      %add3A_40 = arith.constant 0 : i32
      %add3A_41 = arith.addi %add3A_40, %mul3A_39 : i32
      %add3A_42 = arith.constant 0 : i32
      %add3A_43 = arith.addi %add3A_41, %add3A_42 : i32
      %mul3A_44 = arith.constant 32 : i32
      %mul3A_45 = arith.muli %add3A_43, %mul3A_44 : i32
      %add3A_46 = arith.addi %add3A, %mul3A_45 : i32
      %lt3A = arith.constant 300 : i32
      %lt3A_47 = arith.cmpi slt, %add3A_46, %lt3A : i32
      %convert_element_type3A = arith.extui %lt3A_47 : i1 to i32
      %cond3A = arith.constant 0 : i32
      %cond3A_48 = arith.cmpi ne, %convert_element_type3A, %cond3A : i32
      scf.if %cond3A_48 {
        "tpu.region"() ({
          %run_scoped3A = tpu.sem_alloc : memref<!tpu.dma_semaphore, #tpu.memory_space<semaphore_mem>>
          %dma_start3A_73 = arith.constant 0 : i32
          %dma_start3A_74 = tpu.memref_slice %arg2[%add3A_46, %dma_start3A_73] : memref<300x75000xf32, #tpu.memory_space<hbm>> -> memref<1x75000xf32, #tpu.memory_space<hbm>>
          %dma_start3A_75 = tpu.memref_squeeze %dma_start3A_74 : memref<1x75000xf32, #tpu.memory_space<hbm>> -> memref<75000xf32, #tpu.memory_space<hbm>>
          %dma_start3A_76 = arith.constant 0 : i32
          %dma_start3A_77 = tpu.memref_slice %arg2[%add3A_46, %dma_start3A_76] : memref<300x75000xf32, #tpu.memory_space<hbm>> -> memref<1x75000xf32, #tpu.memory_space<hbm>>
          %dma_start3A_78 = tpu.memref_squeeze %dma_start3A_77 : memref<1x75000xf32, #tpu.memory_space<hbm>> -> memref<75000xf32, #tpu.memory_space<hbm>>
          tpu.enqueue_dma source(%dma_start3A_78 : memref<75000xf32, #tpu.memory_space<hbm>>) target(%arg8 : memref<75000xf32, #tpu.memory_space<vmem>>) target_semaphore(%run_scoped3A : memref<!tpu.dma_semaphore, #tpu.memory_space<semaphore_mem>>)
          %dma_wait3A_79 = arith.constant 0 : i32
          %dma_wait3A_80 = tpu.memref_slice %arg2[%add3A_46, %dma_wait3A_79] : memref<300x75000xf32, #tpu.memory_space<hbm>> -> memref<1x75000xf32, #tpu.memory_space<hbm>>
          %dma_wait3A_81 = tpu.memref_squeeze %dma_wait3A_80 : memref<1x75000xf32, #tpu.memory_space<hbm>> -> memref<75000xf32, #tpu.memory_space<hbm>>
          %dma_wait3A_82 = arith.constant 0 : i32
          %dma_wait3A_83 = tpu.memref_slice %arg2[%add3A_46, %dma_wait3A_82] : memref<300x75000xf32, #tpu.memory_space<hbm>> -> memref<1x75000xf32, #tpu.memory_space<hbm>>
          %dma_wait3A_84 = tpu.memref_squeeze %dma_wait3A_83 : memref<1x75000xf32, #tpu.memory_space<hbm>> -> memref<75000xf32, #tpu.memory_space<hbm>>
          tpu.wait_dma2 semaphore(%run_scoped3A : memref<!tpu.dma_semaphore, #tpu.memory_space<semaphore_mem>>) src(%dma_wait3A_84 : memref<75000xf32, #tpu.memory_space<hbm>>) dst(%arg8 : memref<75000xf32, #tpu.memory_space<vmem>>)
          tpu.yield
        }) : () -> ()
        %ge3A = arith.constant 2 : i32
        %ge3A_59 = arith.cmpi sge, %add3A_43, %ge3A : i32
        %convert_element_type3A_60 = arith.extui %ge3A_59 : i1 to i32
        %cond3A_61 = arith.constant 0 : i32
        %cond3A_62 = arith.cmpi ne, %convert_element_type3A_60, %cond3A_61 : i32
        scf.if %cond3A_62 {
          %dma_wait3A_73 = arith.constant 0 : i32
          %dma_wait3A_74 = tpu.memref_slice %arg6[%add3A_46, %dma_wait3A_73] : memref<300x16384xf32, #tpu.memory_space<hbm>> -> memref<1x16384xf32, #tpu.memory_space<hbm>>
          %dma_wait3A_75 = tpu.memref_squeeze %dma_wait3A_74 : memref<1x16384xf32, #tpu.memory_space<hbm>> -> memref<16384xf32, #tpu.memory_space<hbm>>
          %dma_wait3A_76 = arith.constant 0 : i32
          %dma_wait3A_77 = tpu.memref_slice %arg6[%add3A_46, %dma_wait3A_76] : memref<300x16384xf32, #tpu.memory_space<hbm>> -> memref<1x16384xf32, #tpu.memory_space<hbm>>
          %dma_wait3A_78 = tpu.memref_squeeze %dma_wait3A_77 : memref<1x16384xf32, #tpu.memory_space<hbm>> -> memref<16384xf32, #tpu.memory_space<hbm>>
          tpu.wait_dma2 semaphore(%arg12 : memref<!tpu.dma_semaphore, #tpu.memory_space<semaphore_mem>>) src(%arg10 : memref<16384xf32, #tpu.memory_space<vmem>>) dst(%dma_wait3A_78 : memref<16384xf32, #tpu.memory_space<hbm>>)
        } else {
        }
        %scan3A_63 = arith.constant 0 : i32
        %scan3A_64 = arith.constant 128 : i32
        %scan3A_65 = arith.addi %scan3A_63, %scan3A_64 : i32
        %scan3A_66 = arith.constant 1 : i32
        scf.for %scan3A_73 = %scan3A_63 to %scan3A_65 step %scan3A_66  : i32 {
          %mul3A_74 = arith.constant 1 : i32
          %mul3A_75 = arith.muli %scan3A_73, %mul3A_74 : i32
          %add3A_76 = arith.constant 0 : i32
          %add3A_77 = arith.addi %add3A_76, %mul3A_75 : i32
          %mul3A_78 = arith.constant 8 : i32
          %mul3A_79 = arith.muli %add3A_77, %mul3A_78 : i32
          %add3A_80 = arith.constant 0 : i32
          %add3A_81 = arith.addi %mul3A_79, %add3A_80 : i32
          %mul3A_82 = arith.constant 16 : i32
          %mul3A_83 = arith.muli %add3A_81, %mul3A_82 : i32
          %get3A = arith.index_cast %mul3A_83 : i32 to index
          %get3A_84 = tpu.vector_load %arg9[%get3A] {strides = array<i32>} : memref<16384xi32, #tpu.memory_space<vmem>>, vector<16xi32>,
          %mul3A_85 = arith.constant 8 : i32
          %mul3A_86 = arith.muli %add3A_77, %mul3A_85 : i32
          %add3A_87 = arith.constant 1 : i32
          %add3A_88 = arith.addi %mul3A_86, %add3A_87 : i32
          %mul3A_89 = arith.constant 16 : i32
          %mul3A_90 = arith.muli %add3A_88, %mul3A_89 : i32
          %get3A_91 = arith.index_cast %mul3A_90 : i32 to index
          %get3A_92 = tpu.vector_load %arg9[%get3A_91] {strides = array<i32>} : memref<16384xi32, #tpu.memory_space<vmem>>, vector<16xi32>,
          %mul3A_93 = arith.constant 8 : i32
          %mul3A_94 = arith.muli %add3A_77, %mul3A_93 : i32
          %add3A_95 = arith.constant 2 : i32
          %add3A_96 = arith.addi %mul3A_94, %add3A_95 : i32
          %mul3A_97 = arith.constant 16 : i32
          %mul3A_98 = arith.muli %add3A_96, %mul3A_97 : i32
          %get3A_99 = arith.index_cast %mul3A_98 : i32 to index
          %get3A_100 = tpu.vector_load %arg9[%get3A_99] {strides = array<i32>} : memref<16384xi32, #tpu.memory_space<vmem>>, vector<16xi32>,
          %mul3A_101 = arith.constant 8 : i32
          %mul3A_102 = arith.muli %add3A_77, %mul3A_101 : i32
          %add3A_103 = arith.constant 3 : i32
          %add3A_104 = arith.addi %mul3A_102, %add3A_103 : i32
          %mul3A_105 = arith.constant 16 : i32
          %mul3A_106 = arith.muli %add3A_104, %mul3A_105 : i32
          %get3A_107 = arith.index_cast %mul3A_106 : i32 to index
          %get3A_108 = tpu.vector_load %arg9[%get3A_107] {strides = array<i32>} : memref<16384xi32, #tpu.memory_space<vmem>>, vector<16xi32>,
          %mul3A_109 = arith.constant 8 : i32
          %mul3A_110 = arith.muli %add3A_77, %mul3A_109 : i32
          %add3A_111 = arith.constant 4 : i32
          %add3A_112 = arith.addi %mul3A_110, %add3A_111 : i32
          %mul3A_113 = arith.constant 16 : i32
          %mul3A_114 = arith.muli %add3A_112, %mul3A_113 : i32
          %get3A_115 = arith.index_cast %mul3A_114 : i32 to index
          %get3A_116 = tpu.vector_load %arg9[%get3A_115] {strides = array<i32>} : memref<16384xi32, #tpu.memory_space<vmem>>, vector<16xi32>,
          %mul3A_117 = arith.constant 8 : i32
          %mul3A_118 = arith.muli %add3A_77, %mul3A_117 : i32
          %add3A_119 = arith.constant 5 : i32
          %add3A_120 = arith.addi %mul3A_118, %add3A_119 : i32
          %mul3A_121 = arith.constant 16 : i32
          %mul3A_122 = arith.muli %add3A_120, %mul3A_121 : i32
          %get3A_123 = arith.index_cast %mul3A_122 : i32 to index
          %get3A_124 = tpu.vector_load %arg9[%get3A_123] {strides = array<i32>} : memref<16384xi32, #tpu.memory_space<vmem>>, vector<16xi32>,
          %mul3A_125 = arith.constant 8 : i32
          %mul3A_126 = arith.muli %add3A_77, %mul3A_125 : i32
          %add3A_127 = arith.constant 6 : i32
          %add3A_128 = arith.addi %mul3A_126, %add3A_127 : i32
          %mul3A_129 = arith.constant 16 : i32
          %mul3A_130 = arith.muli %add3A_128, %mul3A_129 : i32
          %get3A_131 = arith.index_cast %mul3A_130 : i32 to index
          %get3A_132 = tpu.vector_load %arg9[%get3A_131] {strides = array<i32>} : memref<16384xi32, #tpu.memory_space<vmem>>, vector<16xi32>,
          %mul3A_133 = arith.constant 8 : i32
          %mul3A_134 = arith.muli %add3A_77, %mul3A_133 : i32
          %add3A_135 = arith.constant 7 : i32
          %add3A_136 = arith.addi %mul3A_134, %add3A_135 : i32
          %mul3A_137 = arith.constant 16 : i32
          %mul3A_138 = arith.muli %add3A_136, %mul3A_137 : i32
          %get3A_139 = arith.index_cast %mul3A_138 : i32 to index
          %get3A_140 = tpu.vector_load %arg9[%get3A_139] {strides = array<i32>} : memref<16384xi32, #tpu.memory_space<vmem>>, vector<16xi32>,
          %gather3A = tpu.vector_load_idx %arg8[%get3A_84] : memref<75000xf32, #tpu.memory_space<vmem>>[vector<16xi32>], vector<16xf32>,
          %gather3A_141 = tpu.vector_load_idx %arg8[%get3A_92] : memref<75000xf32, #tpu.memory_space<vmem>>[vector<16xi32>], vector<16xf32>,
          %gather3A_142 = tpu.vector_load_idx %arg8[%get3A_100] : memref<75000xf32, #tpu.memory_space<vmem>>[vector<16xi32>], vector<16xf32>,
          %gather3A_143 = tpu.vector_load_idx %arg8[%get3A_108] : memref<75000xf32, #tpu.memory_space<vmem>>[vector<16xi32>], vector<16xf32>,
          %gather3A_144 = tpu.vector_load_idx %arg8[%get3A_116] : memref<75000xf32, #tpu.memory_space<vmem>>[vector<16xi32>], vector<16xf32>,
          %gather3A_145 = tpu.vector_load_idx %arg8[%get3A_124] : memref<75000xf32, #tpu.memory_space<vmem>>[vector<16xi32>], vector<16xf32>,
          %gather3A_146 = tpu.vector_load_idx %arg8[%get3A_132] : memref<75000xf32, #tpu.memory_space<vmem>>[vector<16xi32>], vector<16xf32>,
          %gather3A_147 = tpu.vector_load_idx %arg8[%get3A_140] : memref<75000xf32, #tpu.memory_space<vmem>>[vector<16xi32>], vector<16xf32>,
          %mul3A_148 = arith.constant 8 : i32
          %mul3A_149 = arith.muli %add3A_77, %mul3A_148 : i32
          %add3A_150 = arith.constant 0 : i32
          %add3A_151 = arith.addi %mul3A_149, %add3A_150 : i32
          %mul3A_152 = arith.constant 16 : i32
          %mul3A_153 = arith.muli %add3A_151, %mul3A_152 : i32
          %swap3A = arith.index_cast %mul3A_153 : i32 to index
          %swap3A_154 = tpu.vector_load %arg10[%swap3A] {strides = array<i32>} : memref<16384xf32, #tpu.memory_space<vmem>>, vector<16xf32>,
          tpu.vector_store %arg10[%swap3A], %gather3A {strides = array<i32>} : memref<16384xf32, #tpu.memory_space<vmem>>, vector<16xf32>,
          %mul3A_155 = arith.constant 8 : i32
          %mul3A_156 = arith.muli %add3A_77, %mul3A_155 : i32
          %add3A_157 = arith.constant 1 : i32
          %add3A_158 = arith.addi %mul3A_156, %add3A_157 : i32
          %mul3A_159 = arith.constant 16 : i32
          %mul3A_160 = arith.muli %add3A_158, %mul3A_159 : i32
          %swap3A_161 = arith.index_cast %mul3A_160 : i32 to index
          %swap3A_162 = tpu.vector_load %arg10[%swap3A_161] {strides = array<i32>} : memref<16384xf32, #tpu.memory_space<vmem>>, vector<16xf32>,
          tpu.vector_store %arg10[%swap3A_161], %gather3A_141 {strides = array<i32>} : memref<16384xf32, #tpu.memory_space<vmem>>, vector<16xf32>,
          %mul3A_163 = arith.constant 8 : i32
          %mul3A_164 = arith.muli %add3A_77, %mul3A_163 : i32
          %add3A_165 = arith.constant 2 : i32
          %add3A_166 = arith.addi %mul3A_164, %add3A_165 : i32
          %mul3A_167 = arith.constant 16 : i32
          %mul3A_168 = arith.muli %add3A_166, %mul3A_167 : i32
          %swap3A_169 = arith.index_cast %mul3A_168 : i32 to index
          %swap3A_170 = tpu.vector_load %arg10[%swap3A_169] {strides = array<i32>} : memref<16384xf32, #tpu.memory_space<vmem>>, vector<16xf32>,
          tpu.vector_store %arg10[%swap3A_169], %gather3A_142 {strides = array<i32>} : memref<16384xf32, #tpu.memory_space<vmem>>, vector<16xf32>,
          %mul3A_171 = arith.constant 8 : i32
          %mul3A_172 = arith.muli %add3A_77, %mul3A_171 : i32
          %add3A_173 = arith.constant 3 : i32
          %add3A_174 = arith.addi %mul3A_172, %add3A_173 : i32
          %mul3A_175 = arith.constant 16 : i32
          %mul3A_176 = arith.muli %add3A_174, %mul3A_175 : i32
          %swap3A_177 = arith.index_cast %mul3A_176 : i32 to index
          %swap3A_178 = tpu.vector_load %arg10[%swap3A_177] {strides = array<i32>} : memref<16384xf32, #tpu.memory_space<vmem>>, vector<16xf32>,
          tpu.vector_store %arg10[%swap3A_177], %gather3A_143 {strides = array<i32>} : memref<16384xf32, #tpu.memory_space<vmem>>, vector<16xf32>,
          %mul3A_179 = arith.constant 8 : i32
          %mul3A_180 = arith.muli %add3A_77, %mul3A_179 : i32
          %add3A_181 = arith.constant 4 : i32
          %add3A_182 = arith.addi %mul3A_180, %add3A_181 : i32
          %mul3A_183 = arith.constant 16 : i32
          %mul3A_184 = arith.muli %add3A_182, %mul3A_183 : i32
          %swap3A_185 = arith.index_cast %mul3A_184 : i32 to index
          %swap3A_186 = tpu.vector_load %arg10[%swap3A_185] {strides = array<i32>} : memref<16384xf32, #tpu.memory_space<vmem>>, vector<16xf32>,
          tpu.vector_store %arg10[%swap3A_185], %gather3A_144 {strides = array<i32>} : memref<16384xf32, #tpu.memory_space<vmem>>, vector<16xf32>,
          %mul3A_187 = arith.constant 8 : i32
          %mul3A_188 = arith.muli %add3A_77, %mul3A_187 : i32
          %add3A_189 = arith.constant 5 : i32
          %add3A_190 = arith.addi %mul3A_188, %add3A_189 : i32
          %mul3A_191 = arith.constant 16 : i32
          %mul3A_192 = arith.muli %add3A_190, %mul3A_191 : i32
          %swap3A_193 = arith.index_cast %mul3A_192 : i32 to index
          %swap3A_194 = tpu.vector_load %arg10[%swap3A_193] {strides = array<i32>} : memref<16384xf32, #tpu.memory_space<vmem>>, vector<16xf32>,
          tpu.vector_store %arg10[%swap3A_193], %gather3A_145 {strides = array<i32>} : memref<16384xf32, #tpu.memory_space<vmem>>, vector<16xf32>,
          %mul3A_195 = arith.constant 8 : i32
          %mul3A_196 = arith.muli %add3A_77, %mul3A_195 : i32
          %add3A_197 = arith.constant 6 : i32
          %add3A_198 = arith.addi %mul3A_196, %add3A_197 : i32
          %mul3A_199 = arith.constant 16 : i32
          %mul3A_200 = arith.muli %add3A_198, %mul3A_199 : i32
          %swap3A_201 = arith.index_cast %mul3A_200 : i32 to index
          %swap3A_202 = tpu.vector_load %arg10[%swap3A_201] {strides = array<i32>} : memref<16384xf32, #tpu.memory_space<vmem>>, vector<16xf32>,
          tpu.vector_store %arg10[%swap3A_201], %gather3A_146 {strides = array<i32>} : memref<16384xf32, #tpu.memory_space<vmem>>, vector<16xf32>,
          %mul3A_203 = arith.constant 8 : i32
          %mul3A_204 = arith.muli %add3A_77, %mul3A_203 : i32
          %add3A_205 = arith.constant 7 : i32
          %add3A_206 = arith.addi %mul3A_204, %add3A_205 : i32
          %mul3A_207 = arith.constant 16 : i32
          %mul3A_208 = arith.muli %add3A_206, %mul3A_207 : i32
          %swap3A_209 = arith.index_cast %mul3A_208 : i32 to index
          %swap3A_210 = tpu.vector_load %arg10[%swap3A_209] {strides = array<i32>} : memref<16384xf32, #tpu.memory_space<vmem>>, vector<16xf32>,
          tpu.vector_store %arg10[%swap3A_209], %gather3A_147 {strides = array<i32>} : memref<16384xf32, #tpu.memory_space<vmem>>, vector<16xf32>,
        }
        %scan3A_67 = arith.constant 128 : i32
        %dma_start3A = arith.constant 0 : i32
        %dma_start3A_68 = tpu.memref_slice %arg6[%add3A_46, %dma_start3A] : memref<300x16384xf32, #tpu.memory_space<hbm>> -> memref<1x16384xf32, #tpu.memory_space<hbm>>
        %dma_start3A_69 = tpu.memref_squeeze %dma_start3A_68 : memref<1x16384xf32, #tpu.memory_space<hbm>> -> memref<16384xf32, #tpu.memory_space<hbm>>
        %dma_start3A_70 = arith.constant 0 : i32
        %dma_start3A_71 = tpu.memref_slice %arg6[%add3A_46, %dma_start3A_70] : memref<300x16384xf32, #tpu.memory_space<hbm>> -> memref<1x16384xf32, #tpu.memory_space<hbm>>
        %dma_start3A_72 = tpu.memref_squeeze %dma_start3A_71 : memref<1x16384xf32, #tpu.memory_space<hbm>> -> memref<16384xf32, #tpu.memory_space<hbm>>
        tpu.enqueue_dma source(%arg10 : memref<16384xf32, #tpu.memory_space<vmem>>) target(%dma_start3A_72 : memref<16384xf32, #tpu.memory_space<hbm>>) target_semaphore(%arg12 : memref<!tpu.dma_semaphore, #tpu.memory_space<semaphore_mem>>)
      } else {
      }
      %add3A_49 = arith.constant 1 : i32
      %add3A_50 = arith.addi %add3A_41, %add3A_49 : i32
      %mul3A_51 = arith.constant 32 : i32
      %mul3A_52 = arith.muli %add3A_50, %mul3A_51 : i32
      %add3A_53 = arith.addi %add3A, %mul3A_52 : i32
      %lt3A_54 = arith.constant 300 : i32
      %lt3A_55 = arith.cmpi slt, %add3A_53, %lt3A_54 : i32
      %convert_element_type3A_56 = arith.extui %lt3A_55 : i1 to i32
      %cond3A_57 = arith.constant 0 : i32
      %cond3A_58 = arith.cmpi ne, %convert_element_type3A_56, %cond3A_57 : i32
      scf.if %cond3A_58 {
        "tpu.region"() ({
          %run_scoped3A = tpu.sem_alloc : memref<!tpu.dma_semaphore, #tpu.memory_space<semaphore_mem>>
          %dma_start3A_73 = arith.constant 0 : i32
          %dma_start3A_74 = tpu.memref_slice %arg2[%add3A_53, %dma_start3A_73] : memref<300x75000xf32, #tpu.memory_space<hbm>> -> memref<1x75000xf32, #tpu.memory_space<hbm>>
          %dma_start3A_75 = tpu.memref_squeeze %dma_start3A_74 : memref<1x75000xf32, #tpu.memory_space<hbm>> -> memref<75000xf32, #tpu.memory_space<hbm>>
          %dma_start3A_76 = arith.constant 0 : i32
          %dma_start3A_77 = tpu.memref_slice %arg2[%add3A_53, %dma_start3A_76] : memref<300x75000xf32, #tpu.memory_space<hbm>> -> memref<1x75000xf32, #tpu.memory_space<hbm>>
          %dma_start3A_78 = tpu.memref_squeeze %dma_start3A_77 : memref<1x75000xf32, #tpu.memory_space<hbm>> -> memref<75000xf32, #tpu.memory_space<hbm>>
          tpu.enqueue_dma source(%dma_start3A_78 : memref<75000xf32, #tpu.memory_space<hbm>>) target(%arg8 : memref<75000xf32, #tpu.memory_space<vmem>>) target_semaphore(%run_scoped3A : memref<!tpu.dma_semaphore, #tpu.memory_space<semaphore_mem>>)
          %dma_wait3A_79 = arith.constant 0 : i32
          %dma_wait3A_80 = tpu.memref_slice %arg2[%add3A_53, %dma_wait3A_79] : memref<300x75000xf32, #tpu.memory_space<hbm>> -> memref<1x75000xf32, #tpu.memory_space<hbm>>
          %dma_wait3A_81 = tpu.memref_squeeze %dma_wait3A_80 : memref<1x75000xf32, #tpu.memory_space<hbm>> -> memref<75000xf32, #tpu.memory_space<hbm>>
          %dma_wait3A_82 = arith.constant 0 : i32
          %dma_wait3A_83 = tpu.memref_slice %arg2[%add3A_53, %dma_wait3A_82] : memref<300x75000xf32, #tpu.memory_space<hbm>> -> memref<1x75000xf32, #tpu.memory_space<hbm>>
          %dma_wait3A_84 = tpu.memref_squeeze %dma_wait3A_83 : memref<1x75000xf32, #tpu.memory_space<hbm>> -> memref<75000xf32, #tpu.memory_space<hbm>>
          tpu.wait_dma2 semaphore(%run_scoped3A : memref<!tpu.dma_semaphore, #tpu.memory_space<semaphore_mem>>) src(%dma_wait3A_84 : memref<75000xf32, #tpu.memory_space<hbm>>) dst(%arg8 : memref<75000xf32, #tpu.memory_space<vmem>>)
          tpu.yield
        }) : () -> ()
        %ge3A = arith.constant 2 : i32
        %ge3A_59 = arith.cmpi sge, %add3A_50, %ge3A : i32
        %convert_element_type3A_60 = arith.extui %ge3A_59 : i1 to i32
        %cond3A_61 = arith.constant 0 : i32
        %cond3A_62 = arith.cmpi ne, %convert_element_type3A_60, %cond3A_61 : i32
        scf.if %cond3A_62 {
          %dma_wait3A_73 = arith.constant 0 : i32
          %dma_wait3A_74 = tpu.memref_slice %arg6[%add3A_53, %dma_wait3A_73] : memref<300x16384xf32, #tpu.memory_space<hbm>> -> memref<1x16384xf32, #tpu.memory_space<hbm>>
          %dma_wait3A_75 = tpu.memref_squeeze %dma_wait3A_74 : memref<1x16384xf32, #tpu.memory_space<hbm>> -> memref<16384xf32, #tpu.memory_space<hbm>>
          %dma_wait3A_76 = arith.constant 0 : i32
          %dma_wait3A_77 = tpu.memref_slice %arg6[%add3A_53, %dma_wait3A_76] : memref<300x16384xf32, #tpu.memory_space<hbm>> -> memref<1x16384xf32, #tpu.memory_space<hbm>>
          %dma_wait3A_78 = tpu.memref_squeeze %dma_wait3A_77 : memref<1x16384xf32, #tpu.memory_space<hbm>> -> memref<16384xf32, #tpu.memory_space<hbm>>
          tpu.wait_dma2 semaphore(%arg13 : memref<!tpu.dma_semaphore, #tpu.memory_space<semaphore_mem>>) src(%arg11 : memref<16384xf32, #tpu.memory_space<vmem>>) dst(%dma_wait3A_78 : memref<16384xf32, #tpu.memory_space<hbm>>)
        } else {
        }
        %scan3A_63 = arith.constant 0 : i32
        %scan3A_64 = arith.constant 128 : i32
        %scan3A_65 = arith.addi %scan3A_63, %scan3A_64 : i32
        %scan3A_66 = arith.constant 1 : i32
        scf.for %scan3A_73 = %scan3A_63 to %scan3A_65 step %scan3A_66  : i32 {
          %mul3A_74 = arith.constant 1 : i32
          %mul3A_75 = arith.muli %scan3A_73, %mul3A_74 : i32
          %add3A_76 = arith.constant 0 : i32
          %add3A_77 = arith.addi %add3A_76, %mul3A_75 : i32
          %mul3A_78 = arith.constant 8 : i32
          %mul3A_79 = arith.muli %add3A_77, %mul3A_78 : i32
          %add3A_80 = arith.constant 0 : i32
          %add3A_81 = arith.addi %mul3A_79, %add3A_80 : i32
          %mul3A_82 = arith.constant 16 : i32
          %mul3A_83 = arith.muli %add3A_81, %mul3A_82 : i32
          %get3A = arith.index_cast %mul3A_83 : i32 to index
          %get3A_84 = tpu.vector_load %arg9[%get3A] {strides = array<i32>} : memref<16384xi32, #tpu.memory_space<vmem>>, vector<16xi32>,
          %mul3A_85 = arith.constant 8 : i32
          %mul3A_86 = arith.muli %add3A_77, %mul3A_85 : i32
          %add3A_87 = arith.constant 1 : i32
          %add3A_88 = arith.addi %mul3A_86, %add3A_87 : i32
          %mul3A_89 = arith.constant 16 : i32
          %mul3A_90 = arith.muli %add3A_88, %mul3A_89 : i32
          %get3A_91 = arith.index_cast %mul3A_90 : i32 to index
          %get3A_92 = tpu.vector_load %arg9[%get3A_91] {strides = array<i32>} : memref<16384xi32, #tpu.memory_space<vmem>>, vector<16xi32>,
          %mul3A_93 = arith.constant 8 : i32
          %mul3A_94 = arith.muli %add3A_77, %mul3A_93 : i32
          %add3A_95 = arith.constant 2 : i32
          %add3A_96 = arith.addi %mul3A_94, %add3A_95 : i32
          %mul3A_97 = arith.constant 16 : i32
          %mul3A_98 = arith.muli %add3A_96, %mul3A_97 : i32
          %get3A_99 = arith.index_cast %mul3A_98 : i32 to index
          %get3A_100 = tpu.vector_load %arg9[%get3A_99] {strides = array<i32>} : memref<16384xi32, #tpu.memory_space<vmem>>, vector<16xi32>,
          %mul3A_101 = arith.constant 8 : i32
          %mul3A_102 = arith.muli %add3A_77, %mul3A_101 : i32
          %add3A_103 = arith.constant 3 : i32
          %add3A_104 = arith.addi %mul3A_102, %add3A_103 : i32
          %mul3A_105 = arith.constant 16 : i32
          %mul3A_106 = arith.muli %add3A_104, %mul3A_105 : i32
          %get3A_107 = arith.index_cast %mul3A_106 : i32 to index
          %get3A_108 = tpu.vector_load %arg9[%get3A_107] {strides = array<i32>} : memref<16384xi32, #tpu.memory_space<vmem>>, vector<16xi32>,
          %mul3A_109 = arith.constant 8 : i32
          %mul3A_110 = arith.muli %add3A_77, %mul3A_109 : i32
          %add3A_111 = arith.constant 4 : i32
          %add3A_112 = arith.addi %mul3A_110, %add3A_111 : i32
          %mul3A_113 = arith.constant 16 : i32
          %mul3A_114 = arith.muli %add3A_112, %mul3A_113 : i32
          %get3A_115 = arith.index_cast %mul3A_114 : i32 to index
          %get3A_116 = tpu.vector_load %arg9[%get3A_115] {strides = array<i32>} : memref<16384xi32, #tpu.memory_space<vmem>>, vector<16xi32>,
          %mul3A_117 = arith.constant 8 : i32
          %mul3A_118 = arith.muli %add3A_77, %mul3A_117 : i32
          %add3A_119 = arith.constant 5 : i32
          %add3A_120 = arith.addi %mul3A_118, %add3A_119 : i32
          %mul3A_121 = arith.constant 16 : i32
          %mul3A_122 = arith.muli %add3A_120, %mul3A_121 : i32
          %get3A_123 = arith.index_cast %mul3A_122 : i32 to index
          %get3A_124 = tpu.vector_load %arg9[%get3A_123] {strides = array<i32>} : memref<16384xi32, #tpu.memory_space<vmem>>, vector<16xi32>,
          %mul3A_125 = arith.constant 8 : i32
          %mul3A_126 = arith.muli %add3A_77, %mul3A_125 : i32
          %add3A_127 = arith.constant 6 : i32
          %add3A_128 = arith.addi %mul3A_126, %add3A_127 : i32
          %mul3A_129 = arith.constant 16 : i32
          %mul3A_130 = arith.muli %add3A_128, %mul3A_129 : i32
          %get3A_131 = arith.index_cast %mul3A_130 : i32 to index
          %get3A_132 = tpu.vector_load %arg9[%get3A_131] {strides = array<i32>} : memref<16384xi32, #tpu.memory_space<vmem>>, vector<16xi32>,
          %mul3A_133 = arith.constant 8 : i32
          %mul3A_134 = arith.muli %add3A_77, %mul3A_133 : i32
          %add3A_135 = arith.constant 7 : i32
          %add3A_136 = arith.addi %mul3A_134, %add3A_135 : i32
          %mul3A_137 = arith.constant 16 : i32
          %mul3A_138 = arith.muli %add3A_136, %mul3A_137 : i32
          %get3A_139 = arith.index_cast %mul3A_138 : i32 to index
          %get3A_140 = tpu.vector_load %arg9[%get3A_139] {strides = array<i32>} : memref<16384xi32, #tpu.memory_space<vmem>>, vector<16xi32>,
          %gather3A = tpu.vector_load_idx %arg8[%get3A_84] : memref<75000xf32, #tpu.memory_space<vmem>>[vector<16xi32>], vector<16xf32>,
          %gather3A_141 = tpu.vector_load_idx %arg8[%get3A_92] : memref<75000xf32, #tpu.memory_space<vmem>>[vector<16xi32>], vector<16xf32>,
          %gather3A_142 = tpu.vector_load_idx %arg8[%get3A_100] : memref<75000xf32, #tpu.memory_space<vmem>>[vector<16xi32>], vector<16xf32>,
          %gather3A_143 = tpu.vector_load_idx %arg8[%get3A_108] : memref<75000xf32, #tpu.memory_space<vmem>>[vector<16xi32>], vector<16xf32>,
          %gather3A_144 = tpu.vector_load_idx %arg8[%get3A_116] : memref<75000xf32, #tpu.memory_space<vmem>>[vector<16xi32>], vector<16xf32>,
          %gather3A_145 = tpu.vector_load_idx %arg8[%get3A_124] : memref<75000xf32, #tpu.memory_space<vmem>>[vector<16xi32>], vector<16xf32>,
          %gather3A_146 = tpu.vector_load_idx %arg8[%get3A_132] : memref<75000xf32, #tpu.memory_space<vmem>>[vector<16xi32>], vector<16xf32>,
          %gather3A_147 = tpu.vector_load_idx %arg8[%get3A_140] : memref<75000xf32, #tpu.memory_space<vmem>>[vector<16xi32>], vector<16xf32>,
          %mul3A_148 = arith.constant 8 : i32
          %mul3A_149 = arith.muli %add3A_77, %mul3A_148 : i32
          %add3A_150 = arith.constant 0 : i32
          %add3A_151 = arith.addi %mul3A_149, %add3A_150 : i32
          %mul3A_152 = arith.constant 16 : i32
          %mul3A_153 = arith.muli %add3A_151, %mul3A_152 : i32
          %swap3A = arith.index_cast %mul3A_153 : i32 to index
          %swap3A_154 = tpu.vector_load %arg11[%swap3A] {strides = array<i32>} : memref<16384xf32, #tpu.memory_space<vmem>>, vector<16xf32>,
          tpu.vector_store %arg11[%swap3A], %gather3A {strides = array<i32>} : memref<16384xf32, #tpu.memory_space<vmem>>, vector<16xf32>,
          %mul3A_155 = arith.constant 8 : i32
          %mul3A_156 = arith.muli %add3A_77, %mul3A_155 : i32
          %add3A_157 = arith.constant 1 : i32
          %add3A_158 = arith.addi %mul3A_156, %add3A_157 : i32
          %mul3A_159 = arith.constant 16 : i32
          %mul3A_160 = arith.muli %add3A_158, %mul3A_159 : i32
          %swap3A_161 = arith.index_cast %mul3A_160 : i32 to index
          %swap3A_162 = tpu.vector_load %arg11[%swap3A_161] {strides = array<i32>} : memref<16384xf32, #tpu.memory_space<vmem>>, vector<16xf32>,
          tpu.vector_store %arg11[%swap3A_161], %gather3A_141 {strides = array<i32>} : memref<16384xf32, #tpu.memory_space<vmem>>, vector<16xf32>,
          %mul3A_163 = arith.constant 8 : i32
          %mul3A_164 = arith.muli %add3A_77, %mul3A_163 : i32
          %add3A_165 = arith.constant 2 : i32
          %add3A_166 = arith.addi %mul3A_164, %add3A_165 : i32
          %mul3A_167 = arith.constant 16 : i32
          %mul3A_168 = arith.muli %add3A_166, %mul3A_167 : i32
          %swap3A_169 = arith.index_cast %mul3A_168 : i32 to index
          %swap3A_170 = tpu.vector_load %arg11[%swap3A_169] {strides = array<i32>} : memref<16384xf32, #tpu.memory_space<vmem>>, vector<16xf32>,
          tpu.vector_store %arg11[%swap3A_169], %gather3A_142 {strides = array<i32>} : memref<16384xf32, #tpu.memory_space<vmem>>, vector<16xf32>,
          %mul3A_171 = arith.constant 8 : i32
          %mul3A_172 = arith.muli %add3A_77, %mul3A_171 : i32
          %add3A_173 = arith.constant 3 : i32
          %add3A_174 = arith.addi %mul3A_172, %add3A_173 : i32
          %mul3A_175 = arith.constant 16 : i32
          %mul3A_176 = arith.muli %add3A_174, %mul3A_175 : i32
          %swap3A_177 = arith.index_cast %mul3A_176 : i32 to index
          %swap3A_178 = tpu.vector_load %arg11[%swap3A_177] {strides = array<i32>} : memref<16384xf32, #tpu.memory_space<vmem>>, vector<16xf32>,
          tpu.vector_store %arg11[%swap3A_177], %gather3A_143 {strides = array<i32>} : memref<16384xf32, #tpu.memory_space<vmem>>, vector<16xf32>,
          %mul3A_179 = arith.constant 8 : i32
          %mul3A_180 = arith.muli %add3A_77, %mul3A_179 : i32
          %add3A_181 = arith.constant 4 : i32
          %add3A_182 = arith.addi %mul3A_180, %add3A_181 : i32
          %mul3A_183 = arith.constant 16 : i32
          %mul3A_184 = arith.muli %add3A_182, %mul3A_183 : i32
          %swap3A_185 = arith.index_cast %mul3A_184 : i32 to index
          %swap3A_186 = tpu.vector_load %arg11[%swap3A_185] {strides = array<i32>} : memref<16384xf32, #tpu.memory_space<vmem>>, vector<16xf32>,
          tpu.vector_store %arg11[%swap3A_185], %gather3A_144 {strides = array<i32>} : memref<16384xf32, #tpu.memory_space<vmem>>, vector<16xf32>,
          %mul3A_187 = arith.constant 8 : i32
          %mul3A_188 = arith.muli %add3A_77, %mul3A_187 : i32
          %add3A_189 = arith.constant 5 : i32
          %add3A_190 = arith.addi %mul3A_188, %add3A_189 : i32
          %mul3A_191 = arith.constant 16 : i32
          %mul3A_192 = arith.muli %add3A_190, %mul3A_191 : i32
          %swap3A_193 = arith.index_cast %mul3A_192 : i32 to index
          %swap3A_194 = tpu.vector_load %arg11[%swap3A_193] {strides = array<i32>} : memref<16384xf32, #tpu.memory_space<vmem>>, vector<16xf32>,
          tpu.vector_store %arg11[%swap3A_193], %gather3A_145 {strides = array<i32>} : memref<16384xf32, #tpu.memory_space<vmem>>, vector<16xf32>,
          %mul3A_195 = arith.constant 8 : i32
          %mul3A_196 = arith.muli %add3A_77, %mul3A_195 : i32
          %add3A_197 = arith.constant 6 : i32
          %add3A_198 = arith.addi %mul3A_196, %add3A_197 : i32
          %mul3A_199 = arith.constant 16 : i32
          %mul3A_200 = arith.muli %add3A_198, %mul3A_199 : i32
          %swap3A_201 = arith.index_cast %mul3A_200 : i32 to index
          %swap3A_202 = tpu.vector_load %arg11[%swap3A_201] {strides = array<i32>} : memref<16384xf32, #tpu.memory_space<vmem>>, vector<16xf32>,
          tpu.vector_store %arg11[%swap3A_201], %gather3A_146 {strides = array<i32>} : memref<16384xf32, #tpu.memory_space<vmem>>, vector<16xf32>,
          %mul3A_203 = arith.constant 8 : i32
          %mul3A_204 = arith.muli %add3A_77, %mul3A_203 : i32
          %add3A_205 = arith.constant 7 : i32
          %add3A_206 = arith.addi %mul3A_204, %add3A_205 : i32
          %mul3A_207 = arith.constant 16 : i32
          %mul3A_208 = arith.muli %add3A_206, %mul3A_207 : i32
          %swap3A_209 = arith.index_cast %mul3A_208 : i32 to index
          %swap3A_210 = tpu.vector_load %arg11[%swap3A_209] {strides = array<i32>} : memref<16384xf32, #tpu.memory_space<vmem>>, vector<16xf32>,
          tpu.vector_store %arg11[%swap3A_209], %gather3A_147 {strides = array<i32>} : memref<16384xf32, #tpu.memory_space<vmem>>, vector<16xf32>,
        }
        %scan3A_67 = arith.constant 128 : i32
        %dma_start3A = arith.constant 0 : i32
        %dma_start3A_68 = tpu.memref_slice %arg6[%add3A_53, %dma_start3A] : memref<300x16384xf32, #tpu.memory_space<hbm>> -> memref<1x16384xf32, #tpu.memory_space<hbm>>
        %dma_start3A_69 = tpu.memref_squeeze %dma_start3A_68 : memref<1x16384xf32, #tpu.memory_space<hbm>> -> memref<16384xf32, #tpu.memory_space<hbm>>
        %dma_start3A_70 = arith.constant 0 : i32
        %dma_start3A_71 = tpu.memref_slice %arg6[%add3A_53, %dma_start3A_70] : memref<300x16384xf32, #tpu.memory_space<hbm>> -> memref<1x16384xf32, #tpu.memory_space<hbm>>
        %dma_start3A_72 = tpu.memref_squeeze %dma_start3A_71 : memref<1x16384xf32, #tpu.memory_space<hbm>> -> memref<16384xf32, #tpu.memory_space<hbm>>
        tpu.enqueue_dma source(%arg11 : memref<16384xf32, #tpu.memory_space<vmem>>) target(%dma_start3A_72 : memref<16384xf32, #tpu.memory_space<hbm>>) target_semaphore(%arg13 : memref<!tpu.dma_semaphore, #tpu.memory_space<semaphore_mem>>)
      } else {
      }
    }
    %scan3A_4 = arith.constant 5 : i32
    %dma_wait3A = arith.constant 0 : i32
    %dma_wait3A_5 = arith.constant 0 : i32
    %dma_wait3A_6 = tpu.memref_slice %arg6[%dma_wait3A, %dma_wait3A_5] : memref<300x16384xf32, #tpu.memory_space<hbm>> -> memref<1x16384xf32, #tpu.memory_space<hbm>>
    %dma_wait3A_7 = tpu.memref_squeeze %dma_wait3A_6 : memref<1x16384xf32, #tpu.memory_space<hbm>> -> memref<16384xf32, #tpu.memory_space<hbm>>
    %dma_wait3A_8 = arith.constant 0 : i32
    %dma_wait3A_9 = tpu.memref_slice %arg6[%dma_wait3A, %dma_wait3A_8] : memref<300x16384xf32, #tpu.memory_space<hbm>> -> memref<1x16384xf32, #tpu.memory_space<hbm>>
    %dma_wait3A_10 = tpu.memref_squeeze %dma_wait3A_9 : memref<1x16384xf32, #tpu.memory_space<hbm>> -> memref<16384xf32, #tpu.memory_space<hbm>>
    tpu.wait_dma2 semaphore(%arg12 : memref<!tpu.dma_semaphore, #tpu.memory_space<semaphore_mem>>) src(%arg10 : memref<16384xf32, #tpu.memory_space<vmem>>) dst(%dma_wait3A_10 : memref<16384xf32, #tpu.memory_space<hbm>>)
    %dma_wait3A_11 = arith.constant 0 : i32
    %dma_wait3A_12 = arith.constant 0 : i32
    %dma_wait3A_13 = tpu.memref_slice %arg6[%dma_wait3A_11, %dma_wait3A_12] : memref<300x16384xf32, #tpu.memory_space<hbm>> -> memref<1x16384xf32, #tpu.memory_space<hbm>>
    %dma_wait3A_14 = tpu.memref_squeeze %dma_wait3A_13 : memref<1x16384xf32, #tpu.memory_space<hbm>> -> memref<16384xf32, #tpu.memory_space<hbm>>
    %dma_wait3A_15 = arith.constant 0 : i32
    %dma_wait3A_16 = tpu.memref_slice %arg6[%dma_wait3A_11, %dma_wait3A_15] : memref<300x16384xf32, #tpu.memory_space<hbm>> -> memref<1x16384xf32, #tpu.memory_space<hbm>>
    %dma_wait3A_17 = tpu.memref_squeeze %dma_wait3A_16 : memref<1x16384xf32, #tpu.memory_space<hbm>> -> memref<16384xf32, #tpu.memory_space<hbm>>
    tpu.wait_dma2 semaphore(%arg13 : memref<!tpu.dma_semaphore, #tpu.memory_space<semaphore_mem>>) src(%arg11 : memref<16384xf32, #tpu.memory_space<vmem>>) dst(%dma_wait3A_17 : memref<16384xf32, #tpu.memory_space<hbm>>)
    "tpu.region"() ({
      %run_scoped3A = tpu.sem_alloc : memref<!tpu.dma_semaphore, #tpu.memory_space<semaphore_mem>>
      tpu.enqueue_dma source(%arg5 : memref<16384xi32, #tpu.memory_space<hbm>>) target(%arg9 : memref<16384xi32, #tpu.memory_space<vmem>>) target_semaphore(%run_scoped3A : memref<!tpu.dma_semaphore, #tpu.memory_space<semaphore_mem>>)
      tpu.wait_dma2 semaphore(%run_scoped3A : memref<!tpu.dma_semaphore, #tpu.memory_space<semaphore_mem>>) src(%arg5 : memref<16384xi32, #tpu.memory_space<hbm>>) dst(%arg9 : memref<16384xi32, #tpu.memory_space<vmem>>)
      tpu.yield
    }) : () -> ()
    %scan3A_18 = arith.constant 0 : i32
    %scan3A_19 = arith.constant 5 : i32
    %scan3A_20 = arith.addi %scan3A_18, %scan3A_19 : i32
    %scan3A_21 = arith.constant 1 : i32
    scf.for %scan3A_37 = %scan3A_18 to %scan3A_20 step %scan3A_21  : i32 {
      %mul3A_38 = arith.constant 2 : i32
      %mul3A_39 = arith.muli %scan3A_37, %mul3A_38 : i32
      %add3A_40 = arith.constant 0 : i32
      %add3A_41 = arith.addi %add3A_40, %mul3A_39 : i32
      %add3A_42 = arith.constant 0 : i32
      %add3A_43 = arith.addi %add3A_41, %add3A_42 : i32
      %mul3A_44 = arith.constant 32 : i32
      %mul3A_45 = arith.muli %add3A_43, %mul3A_44 : i32
      %add3A_46 = arith.addi %add3A, %mul3A_45 : i32
      %lt3A = arith.constant 300 : i32
      %lt3A_47 = arith.cmpi slt, %add3A_46, %lt3A : i32
      %convert_element_type3A = arith.extui %lt3A_47 : i1 to i32
      %cond3A = arith.constant 0 : i32
      %cond3A_48 = arith.cmpi ne, %convert_element_type3A, %cond3A : i32
      scf.if %cond3A_48 {
        "tpu.region"() ({
          %run_scoped3A = tpu.sem_alloc : memref<!tpu.dma_semaphore, #tpu.memory_space<semaphore_mem>>
          %dma_start3A_73 = arith.constant 0 : i32
          %dma_start3A_74 = tpu.memref_slice %arg3[%add3A_46, %dma_start3A_73] : memref<300x75000xf32, #tpu.memory_space<hbm>> -> memref<1x75000xf32, #tpu.memory_space<hbm>>
          %dma_start3A_75 = tpu.memref_squeeze %dma_start3A_74 : memref<1x75000xf32, #tpu.memory_space<hbm>> -> memref<75000xf32, #tpu.memory_space<hbm>>
          %dma_start3A_76 = arith.constant 0 : i32
          %dma_start3A_77 = tpu.memref_slice %arg3[%add3A_46, %dma_start3A_76] : memref<300x75000xf32, #tpu.memory_space<hbm>> -> memref<1x75000xf32, #tpu.memory_space<hbm>>
          %dma_start3A_78 = tpu.memref_squeeze %dma_start3A_77 : memref<1x75000xf32, #tpu.memory_space<hbm>> -> memref<75000xf32, #tpu.memory_space<hbm>>
          tpu.enqueue_dma source(%dma_start3A_78 : memref<75000xf32, #tpu.memory_space<hbm>>) target(%arg8 : memref<75000xf32, #tpu.memory_space<vmem>>) target_semaphore(%run_scoped3A : memref<!tpu.dma_semaphore, #tpu.memory_space<semaphore_mem>>)
          %dma_wait3A_79 = arith.constant 0 : i32
          %dma_wait3A_80 = tpu.memref_slice %arg3[%add3A_46, %dma_wait3A_79] : memref<300x75000xf32, #tpu.memory_space<hbm>> -> memref<1x75000xf32, #tpu.memory_space<hbm>>
          %dma_wait3A_81 = tpu.memref_squeeze %dma_wait3A_80 : memref<1x75000xf32, #tpu.memory_space<hbm>> -> memref<75000xf32, #tpu.memory_space<hbm>>
          %dma_wait3A_82 = arith.constant 0 : i32
          %dma_wait3A_83 = tpu.memref_slice %arg3[%add3A_46, %dma_wait3A_82] : memref<300x75000xf32, #tpu.memory_space<hbm>> -> memref<1x75000xf32, #tpu.memory_space<hbm>>
          %dma_wait3A_84 = tpu.memref_squeeze %dma_wait3A_83 : memref<1x75000xf32, #tpu.memory_space<hbm>> -> memref<75000xf32, #tpu.memory_space<hbm>>
          tpu.wait_dma2 semaphore(%run_scoped3A : memref<!tpu.dma_semaphore, #tpu.memory_space<semaphore_mem>>) src(%dma_wait3A_84 : memref<75000xf32, #tpu.memory_space<hbm>>) dst(%arg8 : memref<75000xf32, #tpu.memory_space<vmem>>)
          tpu.yield
        }) : () -> ()
        %ge3A = arith.constant 2 : i32
        %ge3A_59 = arith.cmpi sge, %add3A_43, %ge3A : i32
        %convert_element_type3A_60 = arith.extui %ge3A_59 : i1 to i32
        %cond3A_61 = arith.constant 0 : i32
        %cond3A_62 = arith.cmpi ne, %convert_element_type3A_60, %cond3A_61 : i32
        scf.if %cond3A_62 {
          %dma_wait3A_73 = arith.constant 16384 : i32
          %dma_wait3A_74 = tpu.memref_slice %arg7[%add3A_46, %dma_wait3A_73] : memref<300x32768xf32, #tpu.memory_space<hbm>> -> memref<1x16384xf32, #tpu.memory_space<hbm>>
          %dma_wait3A_75 = tpu.memref_squeeze %dma_wait3A_74 : memref<1x16384xf32, #tpu.memory_space<hbm>> -> memref<16384xf32, #tpu.memory_space<hbm>>
          %dma_wait3A_76 = arith.constant 16384 : i32
          %dma_wait3A_77 = tpu.memref_slice %arg7[%add3A_46, %dma_wait3A_76] : memref<300x32768xf32, #tpu.memory_space<hbm>> -> memref<1x16384xf32, #tpu.memory_space<hbm>>
          %dma_wait3A_78 = tpu.memref_squeeze %dma_wait3A_77 : memref<1x16384xf32, #tpu.memory_space<hbm>> -> memref<16384xf32, #tpu.memory_space<hbm>>
          tpu.wait_dma2 semaphore(%arg12 : memref<!tpu.dma_semaphore, #tpu.memory_space<semaphore_mem>>) src(%arg10 : memref<16384xf32, #tpu.memory_space<vmem>>) dst(%dma_wait3A_78 : memref<16384xf32, #tpu.memory_space<hbm>>)
        } else {
        }
        %scan3A_63 = arith.constant 0 : i32
        %scan3A_64 = arith.constant 128 : i32
        %scan3A_65 = arith.addi %scan3A_63, %scan3A_64 : i32
        %scan3A_66 = arith.constant 1 : i32
        scf.for %scan3A_73 = %scan3A_63 to %scan3A_65 step %scan3A_66  : i32 {
          %mul3A_74 = arith.constant 1 : i32
          %mul3A_75 = arith.muli %scan3A_73, %mul3A_74 : i32
          %add3A_76 = arith.constant 0 : i32
          %add3A_77 = arith.addi %add3A_76, %mul3A_75 : i32
          %mul3A_78 = arith.constant 8 : i32
          %mul3A_79 = arith.muli %add3A_77, %mul3A_78 : i32
          %add3A_80 = arith.constant 0 : i32
          %add3A_81 = arith.addi %mul3A_79, %add3A_80 : i32
          %mul3A_82 = arith.constant 16 : i32
          %mul3A_83 = arith.muli %add3A_81, %mul3A_82 : i32
          %get3A = arith.index_cast %mul3A_83 : i32 to index
          %get3A_84 = tpu.vector_load %arg9[%get3A] {strides = array<i32>} : memref<16384xi32, #tpu.memory_space<vmem>>, vector<16xi32>,
          %mul3A_85 = arith.constant 8 : i32
          %mul3A_86 = arith.muli %add3A_77, %mul3A_85 : i32
          %add3A_87 = arith.constant 1 : i32
          %add3A_88 = arith.addi %mul3A_86, %add3A_87 : i32
          %mul3A_89 = arith.constant 16 : i32
          %mul3A_90 = arith.muli %add3A_88, %mul3A_89 : i32
          %get3A_91 = arith.index_cast %mul3A_90 : i32 to index
          %get3A_92 = tpu.vector_load %arg9[%get3A_91] {strides = array<i32>} : memref<16384xi32, #tpu.memory_space<vmem>>, vector<16xi32>,
          %mul3A_93 = arith.constant 8 : i32
          %mul3A_94 = arith.muli %add3A_77, %mul3A_93 : i32
          %add3A_95 = arith.constant 2 : i32
          %add3A_96 = arith.addi %mul3A_94, %add3A_95 : i32
          %mul3A_97 = arith.constant 16 : i32
          %mul3A_98 = arith.muli %add3A_96, %mul3A_97 : i32
          %get3A_99 = arith.index_cast %mul3A_98 : i32 to index
          %get3A_100 = tpu.vector_load %arg9[%get3A_99] {strides = array<i32>} : memref<16384xi32, #tpu.memory_space<vmem>>, vector<16xi32>,
          %mul3A_101 = arith.constant 8 : i32
          %mul3A_102 = arith.muli %add3A_77, %mul3A_101 : i32
          %add3A_103 = arith.constant 3 : i32
          %add3A_104 = arith.addi %mul3A_102, %add3A_103 : i32
          %mul3A_105 = arith.constant 16 : i32
          %mul3A_106 = arith.muli %add3A_104, %mul3A_105 : i32
          %get3A_107 = arith.index_cast %mul3A_106 : i32 to index
          %get3A_108 = tpu.vector_load %arg9[%get3A_107] {strides = array<i32>} : memref<16384xi32, #tpu.memory_space<vmem>>, vector<16xi32>,
          %mul3A_109 = arith.constant 8 : i32
          %mul3A_110 = arith.muli %add3A_77, %mul3A_109 : i32
          %add3A_111 = arith.constant 4 : i32
          %add3A_112 = arith.addi %mul3A_110, %add3A_111 : i32
          %mul3A_113 = arith.constant 16 : i32
          %mul3A_114 = arith.muli %add3A_112, %mul3A_113 : i32
          %get3A_115 = arith.index_cast %mul3A_114 : i32 to index
          %get3A_116 = tpu.vector_load %arg9[%get3A_115] {strides = array<i32>} : memref<16384xi32, #tpu.memory_space<vmem>>, vector<16xi32>,
          %mul3A_117 = arith.constant 8 : i32
          %mul3A_118 = arith.muli %add3A_77, %mul3A_117 : i32
          %add3A_119 = arith.constant 5 : i32
          %add3A_120 = arith.addi %mul3A_118, %add3A_119 : i32
          %mul3A_121 = arith.constant 16 : i32
          %mul3A_122 = arith.muli %add3A_120, %mul3A_121 : i32
          %get3A_123 = arith.index_cast %mul3A_122 : i32 to index
          %get3A_124 = tpu.vector_load %arg9[%get3A_123] {strides = array<i32>} : memref<16384xi32, #tpu.memory_space<vmem>>, vector<16xi32>,
          %mul3A_125 = arith.constant 8 : i32
          %mul3A_126 = arith.muli %add3A_77, %mul3A_125 : i32
          %add3A_127 = arith.constant 6 : i32
          %add3A_128 = arith.addi %mul3A_126, %add3A_127 : i32
          %mul3A_129 = arith.constant 16 : i32
          %mul3A_130 = arith.muli %add3A_128, %mul3A_129 : i32
          %get3A_131 = arith.index_cast %mul3A_130 : i32 to index
          %get3A_132 = tpu.vector_load %arg9[%get3A_131] {strides = array<i32>} : memref<16384xi32, #tpu.memory_space<vmem>>, vector<16xi32>,
          %mul3A_133 = arith.constant 8 : i32
          %mul3A_134 = arith.muli %add3A_77, %mul3A_133 : i32
          %add3A_135 = arith.constant 7 : i32
          %add3A_136 = arith.addi %mul3A_134, %add3A_135 : i32
          %mul3A_137 = arith.constant 16 : i32
          %mul3A_138 = arith.muli %add3A_136, %mul3A_137 : i32
          %get3A_139 = arith.index_cast %mul3A_138 : i32 to index
          %get3A_140 = tpu.vector_load %arg9[%get3A_139] {strides = array<i32>} : memref<16384xi32, #tpu.memory_space<vmem>>, vector<16xi32>,
          %gather3A = tpu.vector_load_idx %arg8[%get3A_84] : memref<75000xf32, #tpu.memory_space<vmem>>[vector<16xi32>], vector<16xf32>,
          %gather3A_141 = tpu.vector_load_idx %arg8[%get3A_92] : memref<75000xf32, #tpu.memory_space<vmem>>[vector<16xi32>], vector<16xf32>,
          %gather3A_142 = tpu.vector_load_idx %arg8[%get3A_100] : memref<75000xf32, #tpu.memory_space<vmem>>[vector<16xi32>], vector<16xf32>,
          %gather3A_143 = tpu.vector_load_idx %arg8[%get3A_108] : memref<75000xf32, #tpu.memory_space<vmem>>[vector<16xi32>], vector<16xf32>,
          %gather3A_144 = tpu.vector_load_idx %arg8[%get3A_116] : memref<75000xf32, #tpu.memory_space<vmem>>[vector<16xi32>], vector<16xf32>,
          %gather3A_145 = tpu.vector_load_idx %arg8[%get3A_124] : memref<75000xf32, #tpu.memory_space<vmem>>[vector<16xi32>], vector<16xf32>,
          %gather3A_146 = tpu.vector_load_idx %arg8[%get3A_132] : memref<75000xf32, #tpu.memory_space<vmem>>[vector<16xi32>], vector<16xf32>,
          %gather3A_147 = tpu.vector_load_idx %arg8[%get3A_140] : memref<75000xf32, #tpu.memory_space<vmem>>[vector<16xi32>], vector<16xf32>,
          %mul3A_148 = arith.constant 8 : i32
          %mul3A_149 = arith.muli %add3A_77, %mul3A_148 : i32
          %add3A_150 = arith.constant 0 : i32
          %add3A_151 = arith.addi %mul3A_149, %add3A_150 : i32
          %mul3A_152 = arith.constant 16 : i32
          %mul3A_153 = arith.muli %add3A_151, %mul3A_152 : i32
          %swap3A = arith.index_cast %mul3A_153 : i32 to index
          %swap3A_154 = tpu.vector_load %arg10[%swap3A] {strides = array<i32>} : memref<16384xf32, #tpu.memory_space<vmem>>, vector<16xf32>,
          tpu.vector_store %arg10[%swap3A], %gather3A {strides = array<i32>} : memref<16384xf32, #tpu.memory_space<vmem>>, vector<16xf32>,
          %mul3A_155 = arith.constant 8 : i32
          %mul3A_156 = arith.muli %add3A_77, %mul3A_155 : i32
          %add3A_157 = arith.constant 1 : i32
          %add3A_158 = arith.addi %mul3A_156, %add3A_157 : i32
          %mul3A_159 = arith.constant 16 : i32
          %mul3A_160 = arith.muli %add3A_158, %mul3A_159 : i32
          %swap3A_161 = arith.index_cast %mul3A_160 : i32 to index
          %swap3A_162 = tpu.vector_load %arg10[%swap3A_161] {strides = array<i32>} : memref<16384xf32, #tpu.memory_space<vmem>>, vector<16xf32>,
          tpu.vector_store %arg10[%swap3A_161], %gather3A_141 {strides = array<i32>} : memref<16384xf32, #tpu.memory_space<vmem>>, vector<16xf32>,
          %mul3A_163 = arith.constant 8 : i32
          %mul3A_164 = arith.muli %add3A_77, %mul3A_163 : i32
          %add3A_165 = arith.constant 2 : i32
          %add3A_166 = arith.addi %mul3A_164, %add3A_165 : i32
          %mul3A_167 = arith.constant 16 : i32
          %mul3A_168 = arith.muli %add3A_166, %mul3A_167 : i32
          %swap3A_169 = arith.index_cast %mul3A_168 : i32 to index
          %swap3A_170 = tpu.vector_load %arg10[%swap3A_169] {strides = array<i32>} : memref<16384xf32, #tpu.memory_space<vmem>>, vector<16xf32>,
          tpu.vector_store %arg10[%swap3A_169], %gather3A_142 {strides = array<i32>} : memref<16384xf32, #tpu.memory_space<vmem>>, vector<16xf32>,
          %mul3A_171 = arith.constant 8 : i32
          %mul3A_172 = arith.muli %add3A_77, %mul3A_171 : i32
          %add3A_173 = arith.constant 3 : i32
          %add3A_174 = arith.addi %mul3A_172, %add3A_173 : i32
          %mul3A_175 = arith.constant 16 : i32
          %mul3A_176 = arith.muli %add3A_174, %mul3A_175 : i32
          %swap3A_177 = arith.index_cast %mul3A_176 : i32 to index
          %swap3A_178 = tpu.vector_load %arg10[%swap3A_177] {strides = array<i32>} : memref<16384xf32, #tpu.memory_space<vmem>>, vector<16xf32>,
          tpu.vector_store %arg10[%swap3A_177], %gather3A_143 {strides = array<i32>} : memref<16384xf32, #tpu.memory_space<vmem>>, vector<16xf32>,
          %mul3A_179 = arith.constant 8 : i32
          %mul3A_180 = arith.muli %add3A_77, %mul3A_179 : i32
          %add3A_181 = arith.constant 4 : i32
          %add3A_182 = arith.addi %mul3A_180, %add3A_181 : i32
          %mul3A_183 = arith.constant 16 : i32
          %mul3A_184 = arith.muli %add3A_182, %mul3A_183 : i32
          %swap3A_185 = arith.index_cast %mul3A_184 : i32 to index
          %swap3A_186 = tpu.vector_load %arg10[%swap3A_185] {strides = array<i32>} : memref<16384xf32, #tpu.memory_space<vmem>>, vector<16xf32>,
          tpu.vector_store %arg10[%swap3A_185], %gather3A_144 {strides = array<i32>} : memref<16384xf32, #tpu.memory_space<vmem>>, vector<16xf32>,
          %mul3A_187 = arith.constant 8 : i32
          %mul3A_188 = arith.muli %add3A_77, %mul3A_187 : i32
          %add3A_189 = arith.constant 5 : i32
          %add3A_190 = arith.addi %mul3A_188, %add3A_189 : i32
          %mul3A_191 = arith.constant 16 : i32
          %mul3A_192 = arith.muli %add3A_190, %mul3A_191 : i32
          %swap3A_193 = arith.index_cast %mul3A_192 : i32 to index
          %swap3A_194 = tpu.vector_load %arg10[%swap3A_193] {strides = array<i32>} : memref<16384xf32, #tpu.memory_space<vmem>>, vector<16xf32>,
          tpu.vector_store %arg10[%swap3A_193], %gather3A_145 {strides = array<i32>} : memref<16384xf32, #tpu.memory_space<vmem>>, vector<16xf32>,
          %mul3A_195 = arith.constant 8 : i32
          %mul3A_196 = arith.muli %add3A_77, %mul3A_195 : i32
          %add3A_197 = arith.constant 6 : i32
          %add3A_198 = arith.addi %mul3A_196, %add3A_197 : i32
          %mul3A_199 = arith.constant 16 : i32
          %mul3A_200 = arith.muli %add3A_198, %mul3A_199 : i32
          %swap3A_201 = arith.index_cast %mul3A_200 : i32 to index
          %swap3A_202 = tpu.vector_load %arg10[%swap3A_201] {strides = array<i32>} : memref<16384xf32, #tpu.memory_space<vmem>>, vector<16xf32>,
          tpu.vector_store %arg10[%swap3A_201], %gather3A_146 {strides = array<i32>} : memref<16384xf32, #tpu.memory_space<vmem>>, vector<16xf32>,
          %mul3A_203 = arith.constant 8 : i32
          %mul3A_204 = arith.muli %add3A_77, %mul3A_203 : i32
          %add3A_205 = arith.constant 7 : i32
          %add3A_206 = arith.addi %mul3A_204, %add3A_205 : i32
          %mul3A_207 = arith.constant 16 : i32
          %mul3A_208 = arith.muli %add3A_206, %mul3A_207 : i32
          %swap3A_209 = arith.index_cast %mul3A_208 : i32 to index
          %swap3A_210 = tpu.vector_load %arg10[%swap3A_209] {strides = array<i32>} : memref<16384xf32, #tpu.memory_space<vmem>>, vector<16xf32>,
          tpu.vector_store %arg10[%swap3A_209], %gather3A_147 {strides = array<i32>} : memref<16384xf32, #tpu.memory_space<vmem>>, vector<16xf32>,
        }
        %scan3A_67 = arith.constant 128 : i32
        %dma_start3A = arith.constant 16384 : i32
        %dma_start3A_68 = tpu.memref_slice %arg7[%add3A_46, %dma_start3A] : memref<300x32768xf32, #tpu.memory_space<hbm>> -> memref<1x16384xf32, #tpu.memory_space<hbm>>
        %dma_start3A_69 = tpu.memref_squeeze %dma_start3A_68 : memref<1x16384xf32, #tpu.memory_space<hbm>> -> memref<16384xf32, #tpu.memory_space<hbm>>
        %dma_start3A_70 = arith.constant 16384 : i32
        %dma_start3A_71 = tpu.memref_slice %arg7[%add3A_46, %dma_start3A_70] : memref<300x32768xf32, #tpu.memory_space<hbm>> -> memref<1x16384xf32, #tpu.memory_space<hbm>>
        %dma_start3A_72 = tpu.memref_squeeze %dma_start3A_71 : memref<1x16384xf32, #tpu.memory_space<hbm>> -> memref<16384xf32, #tpu.memory_space<hbm>>
        tpu.enqueue_dma source(%arg10 : memref<16384xf32, #tpu.memory_space<vmem>>) target(%dma_start3A_72 : memref<16384xf32, #tpu.memory_space<hbm>>) target_semaphore(%arg12 : memref<!tpu.dma_semaphore, #tpu.memory_space<semaphore_mem>>)
      } else {
      }
      %add3A_49 = arith.constant 1 : i32
      %add3A_50 = arith.addi %add3A_41, %add3A_49 : i32
      %mul3A_51 = arith.constant 32 : i32
      %mul3A_52 = arith.muli %add3A_50, %mul3A_51 : i32
      %add3A_53 = arith.addi %add3A, %mul3A_52 : i32
      %lt3A_54 = arith.constant 300 : i32
      %lt3A_55 = arith.cmpi slt, %add3A_53, %lt3A_54 : i32
      %convert_element_type3A_56 = arith.extui %lt3A_55 : i1 to i32
      %cond3A_57 = arith.constant 0 : i32
      %cond3A_58 = arith.cmpi ne, %convert_element_type3A_56, %cond3A_57 : i32
      scf.if %cond3A_58 {
        "tpu.region"() ({
          %run_scoped3A = tpu.sem_alloc : memref<!tpu.dma_semaphore, #tpu.memory_space<semaphore_mem>>
          %dma_start3A_73 = arith.constant 0 : i32
          %dma_start3A_74 = tpu.memref_slice %arg3[%add3A_53, %dma_start3A_73] : memref<300x75000xf32, #tpu.memory_space<hbm>> -> memref<1x75000xf32, #tpu.memory_space<hbm>>
          %dma_start3A_75 = tpu.memref_squeeze %dma_start3A_74 : memref<1x75000xf32, #tpu.memory_space<hbm>> -> memref<75000xf32, #tpu.memory_space<hbm>>
          %dma_start3A_76 = arith.constant 0 : i32
          %dma_start3A_77 = tpu.memref_slice %arg3[%add3A_53, %dma_start3A_76] : memref<300x75000xf32, #tpu.memory_space<hbm>> -> memref<1x75000xf32, #tpu.memory_space<hbm>>
          %dma_start3A_78 = tpu.memref_squeeze %dma_start3A_77 : memref<1x75000xf32, #tpu.memory_space<hbm>> -> memref<75000xf32, #tpu.memory_space<hbm>>
          tpu.enqueue_dma source(%dma_start3A_78 : memref<75000xf32, #tpu.memory_space<hbm>>) target(%arg8 : memref<75000xf32, #tpu.memory_space<vmem>>) target_semaphore(%run_scoped3A : memref<!tpu.dma_semaphore, #tpu.memory_space<semaphore_mem>>)
          %dma_wait3A_79 = arith.constant 0 : i32
          %dma_wait3A_80 = tpu.memref_slice %arg3[%add3A_53, %dma_wait3A_79] : memref<300x75000xf32, #tpu.memory_space<hbm>> -> memref<1x75000xf32, #tpu.memory_space<hbm>>
          %dma_wait3A_81 = tpu.memref_squeeze %dma_wait3A_80 : memref<1x75000xf32, #tpu.memory_space<hbm>> -> memref<75000xf32, #tpu.memory_space<hbm>>
          %dma_wait3A_82 = arith.constant 0 : i32
          %dma_wait3A_83 = tpu.memref_slice %arg3[%add3A_53, %dma_wait3A_82] : memref<300x75000xf32, #tpu.memory_space<hbm>> -> memref<1x75000xf32, #tpu.memory_space<hbm>>
          %dma_wait3A_84 = tpu.memref_squeeze %dma_wait3A_83 : memref<1x75000xf32, #tpu.memory_space<hbm>> -> memref<75000xf32, #tpu.memory_space<hbm>>
          tpu.wait_dma2 semaphore(%run_scoped3A : memref<!tpu.dma_semaphore, #tpu.memory_space<semaphore_mem>>) src(%dma_wait3A_84 : memref<75000xf32, #tpu.memory_space<hbm>>) dst(%arg8 : memref<75000xf32, #tpu.memory_space<vmem>>)
          tpu.yield
        }) : () -> ()
        %ge3A = arith.constant 2 : i32
        %ge3A_59 = arith.cmpi sge, %add3A_50, %ge3A : i32
        %convert_element_type3A_60 = arith.extui %ge3A_59 : i1 to i32
        %cond3A_61 = arith.constant 0 : i32
        %cond3A_62 = arith.cmpi ne, %convert_element_type3A_60, %cond3A_61 : i32
        scf.if %cond3A_62 {
          %dma_wait3A_73 = arith.constant 16384 : i32
          %dma_wait3A_74 = tpu.memref_slice %arg7[%add3A_53, %dma_wait3A_73] : memref<300x32768xf32, #tpu.memory_space<hbm>> -> memref<1x16384xf32, #tpu.memory_space<hbm>>
          %dma_wait3A_75 = tpu.memref_squeeze %dma_wait3A_74 : memref<1x16384xf32, #tpu.memory_space<hbm>> -> memref<16384xf32, #tpu.memory_space<hbm>>
          %dma_wait3A_76 = arith.constant 16384 : i32
          %dma_wait3A_77 = tpu.memref_slice %arg7[%add3A_53, %dma_wait3A_76] : memref<300x32768xf32, #tpu.memory_space<hbm>> -> memref<1x16384xf32, #tpu.memory_space<hbm>>
          %dma_wait3A_78 = tpu.memref_squeeze %dma_wait3A_77 : memref<1x16384xf32, #tpu.memory_space<hbm>> -> memref<16384xf32, #tpu.memory_space<hbm>>
          tpu.wait_dma2 semaphore(%arg13 : memref<!tpu.dma_semaphore, #tpu.memory_space<semaphore_mem>>) src(%arg11 : memref<16384xf32, #tpu.memory_space<vmem>>) dst(%dma_wait3A_78 : memref<16384xf32, #tpu.memory_space<hbm>>)
        } else {
        }
        %scan3A_63 = arith.constant 0 : i32
        %scan3A_64 = arith.constant 128 : i32
        %scan3A_65 = arith.addi %scan3A_63, %scan3A_64 : i32
        %scan3A_66 = arith.constant 1 : i32
        scf.for %scan3A_73 = %scan3A_63 to %scan3A_65 step %scan3A_66  : i32 {
          %mul3A_74 = arith.constant 1 : i32
          %mul3A_75 = arith.muli %scan3A_73, %mul3A_74 : i32
          %add3A_76 = arith.constant 0 : i32
          %add3A_77 = arith.addi %add3A_76, %mul3A_75 : i32
          %mul3A_78 = arith.constant 8 : i32
          %mul3A_79 = arith.muli %add3A_77, %mul3A_78 : i32
          %add3A_80 = arith.constant 0 : i32
          %add3A_81 = arith.addi %mul3A_79, %add3A_80 : i32
          %mul3A_82 = arith.constant 16 : i32
          %mul3A_83 = arith.muli %add3A_81, %mul3A_82 : i32
          %get3A = arith.index_cast %mul3A_83 : i32 to index
          %get3A_84 = tpu.vector_load %arg9[%get3A] {strides = array<i32>} : memref<16384xi32, #tpu.memory_space<vmem>>, vector<16xi32>,
          %mul3A_85 = arith.constant 8 : i32
          %mul3A_86 = arith.muli %add3A_77, %mul3A_85 : i32
          %add3A_87 = arith.constant 1 : i32
          %add3A_88 = arith.addi %mul3A_86, %add3A_87 : i32
          %mul3A_89 = arith.constant 16 : i32
          %mul3A_90 = arith.muli %add3A_88, %mul3A_89 : i32
          %get3A_91 = arith.index_cast %mul3A_90 : i32 to index
          %get3A_92 = tpu.vector_load %arg9[%get3A_91] {strides = array<i32>} : memref<16384xi32, #tpu.memory_space<vmem>>, vector<16xi32>,
          %mul3A_93 = arith.constant 8 : i32
          %mul3A_94 = arith.muli %add3A_77, %mul3A_93 : i32
          %add3A_95 = arith.constant 2 : i32
          %add3A_96 = arith.addi %mul3A_94, %add3A_95 : i32
          %mul3A_97 = arith.constant 16 : i32
          %mul3A_98 = arith.muli %add3A_96, %mul3A_97 : i32
          %get3A_99 = arith.index_cast %mul3A_98 : i32 to index
          %get3A_100 = tpu.vector_load %arg9[%get3A_99] {strides = array<i32>} : memref<16384xi32, #tpu.memory_space<vmem>>, vector<16xi32>,
          %mul3A_101 = arith.constant 8 : i32
          %mul3A_102 = arith.muli %add3A_77, %mul3A_101 : i32
          %add3A_103 = arith.constant 3 : i32
          %add3A_104 = arith.addi %mul3A_102, %add3A_103 : i32
          %mul3A_105 = arith.constant 16 : i32
          %mul3A_106 = arith.muli %add3A_104, %mul3A_105 : i32
          %get3A_107 = arith.index_cast %mul3A_106 : i32 to index
          %get3A_108 = tpu.vector_load %arg9[%get3A_107] {strides = array<i32>} : memref<16384xi32, #tpu.memory_space<vmem>>, vector<16xi32>,
          %mul3A_109 = arith.constant 8 : i32
          %mul3A_110 = arith.muli %add3A_77, %mul3A_109 : i32
          %add3A_111 = arith.constant 4 : i32
          %add3A_112 = arith.addi %mul3A_110, %add3A_111 : i32
          %mul3A_113 = arith.constant 16 : i32
          %mul3A_114 = arith.muli %add3A_112, %mul3A_113 : i32
          %get3A_115 = arith.index_cast %mul3A_114 : i32 to index
          %get3A_116 = tpu.vector_load %arg9[%get3A_115] {strides = array<i32>} : memref<16384xi32, #tpu.memory_space<vmem>>, vector<16xi32>,
          %mul3A_117 = arith.constant 8 : i32
          %mul3A_118 = arith.muli %add3A_77, %mul3A_117 : i32
          %add3A_119 = arith.constant 5 : i32
          %add3A_120 = arith.addi %mul3A_118, %add3A_119 : i32
          %mul3A_121 = arith.constant 16 : i32
          %mul3A_122 = arith.muli %add3A_120, %mul3A_121 : i32
          %get3A_123 = arith.index_cast %mul3A_122 : i32 to index
          %get3A_124 = tpu.vector_load %arg9[%get3A_123] {strides = array<i32>} : memref<16384xi32, #tpu.memory_space<vmem>>, vector<16xi32>,
          %mul3A_125 = arith.constant 8 : i32
          %mul3A_126 = arith.muli %add3A_77, %mul3A_125 : i32
          %add3A_127 = arith.constant 6 : i32
          %add3A_128 = arith.addi %mul3A_126, %add3A_127 : i32
          %mul3A_129 = arith.constant 16 : i32
          %mul3A_130 = arith.muli %add3A_128, %mul3A_129 : i32
          %get3A_131 = arith.index_cast %mul3A_130 : i32 to index
          %get3A_132 = tpu.vector_load %arg9[%get3A_131] {strides = array<i32>} : memref<16384xi32, #tpu.memory_space<vmem>>, vector<16xi32>,
          %mul3A_133 = arith.constant 8 : i32
          %mul3A_134 = arith.muli %add3A_77, %mul3A_133 : i32
          %add3A_135 = arith.constant 7 : i32
          %add3A_136 = arith.addi %mul3A_134, %add3A_135 : i32
          %mul3A_137 = arith.constant 16 : i32
          %mul3A_138 = arith.muli %add3A_136, %mul3A_137 : i32
          %get3A_139 = arith.index_cast %mul3A_138 : i32 to index
          %get3A_140 = tpu.vector_load %arg9[%get3A_139] {strides = array<i32>} : memref<16384xi32, #tpu.memory_space<vmem>>, vector<16xi32>,
          %gather3A = tpu.vector_load_idx %arg8[%get3A_84] : memref<75000xf32, #tpu.memory_space<vmem>>[vector<16xi32>], vector<16xf32>,
          %gather3A_141 = tpu.vector_load_idx %arg8[%get3A_92] : memref<75000xf32, #tpu.memory_space<vmem>>[vector<16xi32>], vector<16xf32>,
          %gather3A_142 = tpu.vector_load_idx %arg8[%get3A_100] : memref<75000xf32, #tpu.memory_space<vmem>>[vector<16xi32>], vector<16xf32>,
          %gather3A_143 = tpu.vector_load_idx %arg8[%get3A_108] : memref<75000xf32, #tpu.memory_space<vmem>>[vector<16xi32>], vector<16xf32>,
          %gather3A_144 = tpu.vector_load_idx %arg8[%get3A_116] : memref<75000xf32, #tpu.memory_space<vmem>>[vector<16xi32>], vector<16xf32>,
          %gather3A_145 = tpu.vector_load_idx %arg8[%get3A_124] : memref<75000xf32, #tpu.memory_space<vmem>>[vector<16xi32>], vector<16xf32>,
          %gather3A_146 = tpu.vector_load_idx %arg8[%get3A_132] : memref<75000xf32, #tpu.memory_space<vmem>>[vector<16xi32>], vector<16xf32>,
          %gather3A_147 = tpu.vector_load_idx %arg8[%get3A_140] : memref<75000xf32, #tpu.memory_space<vmem>>[vector<16xi32>], vector<16xf32>,
          %mul3A_148 = arith.constant 8 : i32
          %mul3A_149 = arith.muli %add3A_77, %mul3A_148 : i32
          %add3A_150 = arith.constant 0 : i32
          %add3A_151 = arith.addi %mul3A_149, %add3A_150 : i32
          %mul3A_152 = arith.constant 16 : i32
          %mul3A_153 = arith.muli %add3A_151, %mul3A_152 : i32
          %swap3A = arith.index_cast %mul3A_153 : i32 to index
          %swap3A_154 = tpu.vector_load %arg11[%swap3A] {strides = array<i32>} : memref<16384xf32, #tpu.memory_space<vmem>>, vector<16xf32>,
          tpu.vector_store %arg11[%swap3A], %gather3A {strides = array<i32>} : memref<16384xf32, #tpu.memory_space<vmem>>, vector<16xf32>,
          %mul3A_155 = arith.constant 8 : i32
          %mul3A_156 = arith.muli %add3A_77, %mul3A_155 : i32
          %add3A_157 = arith.constant 1 : i32
          %add3A_158 = arith.addi %mul3A_156, %add3A_157 : i32
          %mul3A_159 = arith.constant 16 : i32
          %mul3A_160 = arith.muli %add3A_158, %mul3A_159 : i32
          %swap3A_161 = arith.index_cast %mul3A_160 : i32 to index
          %swap3A_162 = tpu.vector_load %arg11[%swap3A_161] {strides = array<i32>} : memref<16384xf32, #tpu.memory_space<vmem>>, vector<16xf32>,
          tpu.vector_store %arg11[%swap3A_161], %gather3A_141 {strides = array<i32>} : memref<16384xf32, #tpu.memory_space<vmem>>, vector<16xf32>,
          %mul3A_163 = arith.constant 8 : i32
          %mul3A_164 = arith.muli %add3A_77, %mul3A_163 : i32
          %add3A_165 = arith.constant 2 : i32
          %add3A_166 = arith.addi %mul3A_164, %add3A_165 : i32
          %mul3A_167 = arith.constant 16 : i32
          %mul3A_168 = arith.muli %add3A_166, %mul3A_167 : i32
          %swap3A_169 = arith.index_cast %mul3A_168 : i32 to index
          %swap3A_170 = tpu.vector_load %arg11[%swap3A_169] {strides = array<i32>} : memref<16384xf32, #tpu.memory_space<vmem>>, vector<16xf32>,
          tpu.vector_store %arg11[%swap3A_169], %gather3A_142 {strides = array<i32>} : memref<16384xf32, #tpu.memory_space<vmem>>, vector<16xf32>,
          %mul3A_171 = arith.constant 8 : i32
          %mul3A_172 = arith.muli %add3A_77, %mul3A_171 : i32
          %add3A_173 = arith.constant 3 : i32
          %add3A_174 = arith.addi %mul3A_172, %add3A_173 : i32
          %mul3A_175 = arith.constant 16 : i32
          %mul3A_176 = arith.muli %add3A_174, %mul3A_175 : i32
          %swap3A_177 = arith.index_cast %mul3A_176 : i32 to index
          %swap3A_178 = tpu.vector_load %arg11[%swap3A_177] {strides = array<i32>} : memref<16384xf32, #tpu.memory_space<vmem>>, vector<16xf32>,
          tpu.vector_store %arg11[%swap3A_177], %gather3A_143 {strides = array<i32>} : memref<16384xf32, #tpu.memory_space<vmem>>, vector<16xf32>,
          %mul3A_179 = arith.constant 8 : i32
          %mul3A_180 = arith.muli %add3A_77, %mul3A_179 : i32
          %add3A_181 = arith.constant 4 : i32
          %add3A_182 = arith.addi %mul3A_180, %add3A_181 : i32
          %mul3A_183 = arith.constant 16 : i32
          %mul3A_184 = arith.muli %add3A_182, %mul3A_183 : i32
          %swap3A_185 = arith.index_cast %mul3A_184 : i32 to index
          %swap3A_186 = tpu.vector_load %arg11[%swap3A_185] {strides = array<i32>} : memref<16384xf32, #tpu.memory_space<vmem>>, vector<16xf32>,
          tpu.vector_store %arg11[%swap3A_185], %gather3A_144 {strides = array<i32>} : memref<16384xf32, #tpu.memory_space<vmem>>, vector<16xf32>,
          %mul3A_187 = arith.constant 8 : i32
          %mul3A_188 = arith.muli %add3A_77, %mul3A_187 : i32
          %add3A_189 = arith.constant 5 : i32
          %add3A_190 = arith.addi %mul3A_188, %add3A_189 : i32
          %mul3A_191 = arith.constant 16 : i32
          %mul3A_192 = arith.muli %add3A_190, %mul3A_191 : i32
          %swap3A_193 = arith.index_cast %mul3A_192 : i32 to index
          %swap3A_194 = tpu.vector_load %arg11[%swap3A_193] {strides = array<i32>} : memref<16384xf32, #tpu.memory_space<vmem>>, vector<16xf32>,
          tpu.vector_store %arg11[%swap3A_193], %gather3A_145 {strides = array<i32>} : memref<16384xf32, #tpu.memory_space<vmem>>, vector<16xf32>,
          %mul3A_195 = arith.constant 8 : i32
          %mul3A_196 = arith.muli %add3A_77, %mul3A_195 : i32
          %add3A_197 = arith.constant 6 : i32
          %add3A_198 = arith.addi %mul3A_196, %add3A_197 : i32
          %mul3A_199 = arith.constant 16 : i32
          %mul3A_200 = arith.muli %add3A_198, %mul3A_199 : i32
          %swap3A_201 = arith.index_cast %mul3A_200 : i32 to index
          %swap3A_202 = tpu.vector_load %arg11[%swap3A_201] {strides = array<i32>} : memref<16384xf32, #tpu.memory_space<vmem>>, vector<16xf32>,
          tpu.vector_store %arg11[%swap3A_201], %gather3A_146 {strides = array<i32>} : memref<16384xf32, #tpu.memory_space<vmem>>, vector<16xf32>,
          %mul3A_203 = arith.constant 8 : i32
          %mul3A_204 = arith.muli %add3A_77, %mul3A_203 : i32
          %add3A_205 = arith.constant 7 : i32
          %add3A_206 = arith.addi %mul3A_204, %add3A_205 : i32
          %mul3A_207 = arith.constant 16 : i32
          %mul3A_208 = arith.muli %add3A_206, %mul3A_207 : i32
          %swap3A_209 = arith.index_cast %mul3A_208 : i32 to index
          %swap3A_210 = tpu.vector_load %arg11[%swap3A_209] {strides = array<i32>} : memref<16384xf32, #tpu.memory_space<vmem>>, vector<16xf32>,
          tpu.vector_store %arg11[%swap3A_209], %gather3A_147 {strides = array<i32>} : memref<16384xf32, #tpu.memory_space<vmem>>, vector<16xf32>,
        }
        %scan3A_67 = arith.constant 128 : i32
        %dma_start3A = arith.constant 16384 : i32
        %dma_start3A_68 = tpu.memref_slice %arg7[%add3A_53, %dma_start3A] : memref<300x32768xf32, #tpu.memory_space<hbm>> -> memref<1x16384xf32, #tpu.memory_space<hbm>>
        %dma_start3A_69 = tpu.memref_squeeze %dma_start3A_68 : memref<1x16384xf32, #tpu.memory_space<hbm>> -> memref<16384xf32, #tpu.memory_space<hbm>>
        %dma_start3A_70 = arith.constant 16384 : i32
        %dma_start3A_71 = tpu.memref_slice %arg7[%add3A_53, %dma_start3A_70] : memref<300x32768xf32, #tpu.memory_space<hbm>> -> memref<1x16384xf32, #tpu.memory_space<hbm>>
        %dma_start3A_72 = tpu.memref_squeeze %dma_start3A_71 : memref<1x16384xf32, #tpu.memory_space<hbm>> -> memref<16384xf32, #tpu.memory_space<hbm>>
        tpu.enqueue_dma source(%arg11 : memref<16384xf32, #tpu.memory_space<vmem>>) target(%dma_start3A_72 : memref<16384xf32, #tpu.memory_space<hbm>>) target_semaphore(%arg13 : memref<!tpu.dma_semaphore, #tpu.memory_space<semaphore_mem>>)
      } else {
      }
    }
    %scan3A_22 = arith.constant 5 : i32
    %dma_wait3A_23 = arith.constant 0 : i32
    %dma_wait3A_24 = arith.constant 16384 : i32
    %dma_wait3A_25 = tpu.memref_slice %arg7[%dma_wait3A_23, %dma_wait3A_24] : memref<300x32768xf32, #tpu.memory_space<hbm>> -> memref<1x16384xf32, #tpu.memory_space<hbm>>
    %dma_wait3A_26 = tpu.memref_squeeze %dma_wait3A_25 : memref<1x16384xf32, #tpu.memory_space<hbm>> -> memref<16384xf32, #tpu.memory_space<hbm>>
    %dma_wait3A_27 = arith.constant 16384 : i32
    %dma_wait3A_28 = tpu.memref_slice %arg7[%dma_wait3A_23, %dma_wait3A_27] : memref<300x32768xf32, #tpu.memory_space<hbm>> -> memref<1x16384xf32, #tpu.memory_space<hbm>>
    %dma_wait3A_29 = tpu.memref_squeeze %dma_wait3A_28 : memref<1x16384xf32, #tpu.memory_space<hbm>> -> memref<16384xf32, #tpu.memory_space<hbm>>
    tpu.wait_dma2 semaphore(%arg12 : memref<!tpu.dma_semaphore, #tpu.memory_space<semaphore_mem>>) src(%arg10 : memref<16384xf32, #tpu.memory_space<vmem>>) dst(%dma_wait3A_29 : memref<16384xf32, #tpu.memory_space<hbm>>)
    %dma_wait3A_30 = arith.constant 0 : i32
    %dma_wait3A_31 = arith.constant 16384 : i32
    %dma_wait3A_32 = tpu.memref_slice %arg7[%dma_wait3A_30, %dma_wait3A_31] : memref<300x32768xf32, #tpu.memory_space<hbm>> -> memref<1x16384xf32, #tpu.memory_space<hbm>>
    %dma_wait3A_33 = tpu.memref_squeeze %dma_wait3A_32 : memref<1x16384xf32, #tpu.memory_space<hbm>> -> memref<16384xf32, #tpu.memory_space<hbm>>
    %dma_wait3A_34 = arith.constant 16384 : i32
    %dma_wait3A_35 = tpu.memref_slice %arg7[%dma_wait3A_30, %dma_wait3A_34] : memref<300x32768xf32, #tpu.memory_space<hbm>> -> memref<1x16384xf32, #tpu.memory_space<hbm>>
    %dma_wait3A_36 = tpu.memref_squeeze %dma_wait3A_35 : memref<1x16384xf32, #tpu.memory_space<hbm>> -> memref<16384xf32, #tpu.memory_space<hbm>>
    tpu.wait_dma2 semaphore(%arg13 : memref<!tpu.dma_semaphore, #tpu.memory_space<semaphore_mem>>) src(%arg11 : memref<16384xf32, #tpu.memory_space<vmem>>) dst(%dma_wait3A_36 : memref<16384xf32, #tpu.memory_space<hbm>>)
    return
  }
}

module attributes {stable_mosaic.version = 14 : i64} {
  func.func @_mm_t_body(%arg0: i32, %arg1: memref<300x2048xf32, #tpu.memory_space<vmem>>, %arg2: memref<300x300xf32, #tpu.memory_space<vmem>>, %arg3: memref<300x300xf32, #tpu.memory_space<vmem>>, %arg4: memref<1x300xf32, #tpu.memory_space<vmem>>, %arg5: memref<300x32768xf32, #tpu.memory_space<hbm>>, %arg6: memref<300x2048xf32, #tpu.memory_space<vmem>>, %arg7: memref<300x300xf32, #tpu.memory_space<vmem>>, %arg8: memref<300x1xf32, #tpu.memory_space<vmem>>) attributes {dimension_semantics = [#tpu.dimension_semantics<arbitrary>], iteration_bounds = array<i64: 8>, scalar_prefetch = 0 : i64, scratch_operands = 2 : i64, tpu.core_type = #tpu.core_type<tc>, window_params = [{transform_indices = @transform_0, window_bounds = array<i64: 300, 2048>}, {pipeline_mode = #tpu.pipeline_mode<synchronous>, transform_indices = @transform_1, window_bounds = array<i64: 300, 300>}, {pipeline_mode = #tpu.pipeline_mode<synchronous>, transform_indices = @transform_2, window_bounds = array<i64: 300, 300>}, {pipeline_mode = #tpu.pipeline_mode<synchronous>, transform_indices = @transform_3, window_bounds = array<i64: 1, 300>}, {}, {transform_indices = @transform_5, window_bounds = array<i64: 300, 2048>}]} {
    %eq3A = arith.constant 0 : i32
    %eq3A_0 = arith.cmpi eq, %arg0, %eq3A : i32
    %convert_element_type3A = arith.extui %eq3A_0 : i1 to i32
    %cond3A = arith.constant 0 : i32
    %cond3A_1 = arith.cmpi ne, %convert_element_type3A, %cond3A : i32
    scf.if %cond3A_1 {
      %get3A_16 = arith.constant 0 : index
      %get3A_17 = arith.constant 0 : index
      %get3A_18 = vector.load %arg2[%get3A_16, %get3A_17] : memref<300x300xf32, #tpu.memory_space<vmem>>, vector<300x300xf32>
      %get3A_19 = arith.constant 0 : index
      %get3A_20 = arith.constant 0 : index
      %get3A_21 = vector.load %arg3[%get3A_19, %get3A_20] : memref<300x300xf32, #tpu.memory_space<vmem>>, vector<300x300xf32>
      %dot_general3A_22 = arith.constant dense<0.000000e+00> : vector<300x300xf32>
      %dot_general3A_23 = tpu.matmul %get3A_18, %get3A_21, %dot_general3A_22 {dimension_numbers = #tpu.dot_dimension_numbers<[0], [0], [1], [1], [0, 1, 1, 1], [], []>, transpose_lhs_hint = false} : vector<300x300xf32>, vector<300x300xf32>, vector<300x300xf32> -> vector<300x300xf32>
      %swap3A_24 = arith.constant 0 : index
      %swap3A_25 = arith.constant 0 : index
      %swap3A_26 = vector.load %arg7[%swap3A_24, %swap3A_25] : memref<300x300xf32, #tpu.memory_space<vmem>>, vector<300x300xf32>
      tpu.vector_store %arg7[%swap3A_24, %swap3A_25], %dot_general3A_23 {strides = array<i32>} : memref<300x300xf32, #tpu.memory_space<vmem>>, vector<300x300xf32>,
      %get3A_27 = arith.constant 0 : index
      %get3A_28 = arith.constant 0 : index
      %get3A_29 = vector.load %arg3[%get3A_27, %get3A_28] : memref<300x300xf32, #tpu.memory_space<vmem>>, vector<300x300xf32>
      %get3A_30 = arith.constant 0 : index
      %get3A_31 = arith.constant 0 : index
      %get3A_32 = vector.load %arg4[%get3A_30, %get3A_31] : memref<1x300xf32, #tpu.memory_space<vmem>>, vector<1x300xf32>
      %dot_general3A_33 = arith.constant dense<0.000000e+00> : vector<300x1xf32>
      %dot_general3A_34 = tpu.matmul %get3A_29, %get3A_32, %dot_general3A_33 {dimension_numbers = #tpu.dot_dimension_numbers<[0], [1], [1], [0], [0, 1, 1, 0], [], []>, transpose_lhs_hint = false} : vector<300x300xf32>, vector<1x300xf32>, vector<300x1xf32> -> vector<300x1xf32>
      %swap3A_35 = arith.constant 0 : index
      %swap3A_36 = arith.constant 0 : index
      %swap3A_37 = vector.load %arg8[%swap3A_35, %swap3A_36] : memref<300x1xf32, #tpu.memory_space<vmem>>, vector<300x1xf32>
      tpu.vector_store %arg8[%swap3A_35, %swap3A_36], %dot_general3A_34 {strides = array<i32>} : memref<300x1xf32, #tpu.memory_space<vmem>>, vector<300x1xf32>,
    } else {
    }
    %get3A = arith.constant 0 : index
    %get3A_2 = arith.constant 0 : index
    %get3A_3 = vector.load %arg7[%get3A, %get3A_2] : memref<300x300xf32, #tpu.memory_space<vmem>>, vector<300x300xf32>
    %convert_element_type3A_4 = arith.truncf %get3A_3 : vector<300x300xf32> to vector<300x300xbf16>
    %get3A_5 = arith.constant 0 : index
    %get3A_6 = arith.constant 0 : index
    %get3A_7 = vector.load %arg1[%get3A_5, %get3A_6] : memref<300x2048xf32, #tpu.memory_space<vmem>>, vector<300x2048xf32>
    %convert_element_type3A_8 = arith.truncf %get3A_7 : vector<300x2048xf32> to vector<300x2048xbf16>
    %dot_general3A = arith.constant dense<0.000000e+00> : vector<300x2048xf32>
    %dot_general3A_9 = tpu.matmul %convert_element_type3A_4, %convert_element_type3A_8, %dot_general3A {dimension_numbers = #tpu.dot_dimension_numbers<[0], [0], [1], [1], [0, 1, 1, 1], [], []>, transpose_lhs_hint = false} : vector<300x300xbf16>, vector<300x2048xbf16>, vector<300x2048xf32> -> vector<300x2048xf32>
    %get3A_10 = arith.constant 0 : index
    %get3A_11 = arith.constant 0 : index
    %get3A_12 = vector.load %arg8[%get3A_10, %get3A_11] : memref<300x1xf32, #tpu.memory_space<vmem>>, vector<300x1xf32>
    %add3A = vector.broadcast %get3A_12 : vector<300x1xf32> to vector<300x2048xf32>
    %add3A_13 = arith.addf %dot_general3A_9, %add3A : vector<300x2048xf32>
    %swap3A = arith.constant 0 : index
    %swap3A_14 = arith.constant 0 : index
    %swap3A_15 = vector.load %arg6[%swap3A, %swap3A_14] : memref<300x2048xf32, #tpu.memory_space<vmem>>, vector<300x2048xf32>
    tpu.vector_store %arg6[%swap3A, %swap3A_14], %add3A_13 {strides = array<i32>} : memref<300x2048xf32, #tpu.memory_space<vmem>>, vector<300x2048xf32>,
    return
  }
  func.func @transform_0(%arg0: i32) -> (i32, i32) {
    %c0_i32 = arith.constant 0 : i32
    %c0_i32_0 = arith.constant 0 : i32
    return %c0_i32, %arg0 : i32, i32
  }
  func.func @transform_1(%arg0: i32) -> (i32, i32) {
    %c0_i32 = arith.constant 0 : i32
    %c0_i32_0 = arith.constant 0 : i32
    %c0_i32_1 = arith.constant 0 : i32
    return %c0_i32, %c0_i32_0 : i32, i32
  }
  func.func @transform_2(%arg0: i32) -> (i32, i32) {
    %c0_i32 = arith.constant 0 : i32
    %c0_i32_0 = arith.constant 0 : i32
    %c0_i32_1 = arith.constant 0 : i32
    return %c0_i32, %c0_i32_0 : i32, i32
  }
  func.func @transform_3(%arg0: i32) -> (i32, i32) {
    %c0_i32 = arith.constant 0 : i32
    %c0_i32_0 = arith.constant 0 : i32
    %c0_i32_1 = arith.constant 0 : i32
    return %c0_i32, %c0_i32_0 : i32, i32
  }
  func.func @transform_5(%arg0: i32) -> (i32, i32) {
    %c0_i32 = arith.constant 0 : i32
    %c0_i32_0 = arith.constant 0 : i32
    return %c0_i32, %arg0 : i32, i32
  }
}

</mosaic_0001>

<sc_bundles>
// kernel: kernel.4.cloned.1.call-start
scs
__scs_entry_jumppad:
0x0: {  	(pc) =	sbr.rel $0x88, $3  }
0x1: {  	(tag) =	ssettag $0x0;
	lr =	simm.s32 $0x1  }
0x2: {  	[smem:$0x3F9A] =	sst lr;
	_ =	strace $0xD0000000  }
0x3: {  	_ = 	snop  }
0x4: {  	_ = 	snop  }
0x5: {  	_ = 	snop  }
0x6: {  	_ = 	snop  }
0x7: {  	_ = 	snop  }
__scs_overlays_trampoline_lowered:
0x8: {  	[smem:$0x3FA9] =	sst s0  }
0x9: {  	[smem:$0x3FAA] =	sst s1  }
0xa: {  	[smem:$0x3FAB] =	sst s2  }
0xb: {  	[smem:$0x3FAC] =	sst s3  }
0xc: {  	[smem:$0x3FAD] =	sst s4  }
0xd: {  	[smem:$0x3FAE] =	sst s5  }
0xe: {  	[smem:$0x3FAF] =	sst s6  }
0xf: {  	[smem:$0x3FB0] =	sst s7  }
0x10: {  	[smem:$0x3FB1] =	sst s8  }
0x11: {  	[smem:$0x3FB2] =	sst s9;
	s0 =	simm.s32 @!p0 $0x0  }
0x12: {  	s1 =	sld [smem:$0x3F98];
	s0 =	simm.s32 @p0 $0x1  }
0x13: {  	[smem:$0x3FB3] =	sst s0;
	s0 =	simm.s32 @!p1 $0x0  }
0x14: {  	s2 =	sld [smem:$0x3F97];
	s0 =	simm.s32 @p1 $0x1  }
0x15: {  	[smem:$0x3FB4] =	sst s0;
	s0 =	simm.s32 @!p2 $0x0  }
0x16: {  	s3 =	sld [smem:$0x3FDB];
	s0 =	simm.s32 @p2 $0x1  }
0x17: {  	s4 =	simm.s32 $0x1BF5;
	[smem:$0x3FB6] =	sst s0  }
0x18: {  	s0 =	sld [smem:$0x3F99];
	_ =	swait.ge [sflag:s4], $0x0  }
0x19: {  	s7 =	sld [smem:$0x3F9A]  }
0x1a: {  	s8 =	sadd.s32 $0xFFFFE003, lr  }
0x1b: {  	s9 =	sadd.s32 $0xFFFFFEF7, lr;
	s5 =	simm.s32 $0xFFFFFFFF;
	p2 =	slt.u32 s8, $0xFFFFF086  }
0x1c: {  	p1 =	slt.u32 s9, $0xF7A;
	s5 =	simm.s32 @!p2 $0x0  }
0x1d: {  	s5 =	simm.s32 @p1 $0x1;
	p0 =	seq.s32 s7, s2  }
0x1e: {  	s7 =	smul.u32 @!p0 $0xF7A, s2;
	p2 =	seq.s32 @!p0 s5, $0x0  }
0x1f: {  	s9 =	smul.u32 $0xF7A, s1;
	s8 =	simm.s32 @!p0 $0x1BF5;
	p2 =	por !p2, p0  }
0x20: {  	[sflag:s8] =	ssyncset.s32 @!p0 $0xFFFFF086;
	s6 =	sadd.s32 @!p0 s3, s7;
	s7 =	simm.s32 @!p0 $0x108  }
0x21: {  	s3 =	sadd.s32 s3, s9;
	s6 =	sadd.s32 @!p0 $0x88, s6;
	s7 =	simm.s32 @p2 $0x1082  }
0x22: {  	[simem:s7], [sflag:s8] =	dma.local @!p0 [hbm:s6], $0xF7A  }
0x23: {  	s9 =	sor.u32 $0xD0000000, s2;
	s6 =	simm.s32 $0x108;
	_ =	swait.ge @!p0 [sflag:s8], $0x0  }
0x24: {  	s3 =	sadd.s32 $0x88, s3;
	s6 =	simm.s32 @!p1 $0x1082;
	[sflag:s4] =	ssyncset.s32 $0xFFFFF086  }
0x25: {  	[simem:s6], [sflag:s4] =	dma.local [hbm:s3], $0xF7A  }
0x26: {  	[smem:$0x3F9A] =	sst s1;
	(tag) =	ssettag s2;
	_ =	strace s9  }
0x27: {  	s1 =	sld [smem:$0x3FAA]  }
0x28: {  	s2 =	sld [smem:$0x3FAB]  }
0x29: {  	s4 =	sld [smem:$0x3FAD]  }
0x2a: {  	p0 =	seq.s32 s5, $0x0;
	s5 =	sld [smem:$0x3FAE]  }
0x2b: {  	s6 =	sld [smem:$0x3FAF]  }
0x2c: {  	s7 =	sld [smem:$0x3FB0]  }
0x2d: {  	s3 =	simm.s32 $0x108;
	s8 =	sld [smem:$0x3FB1]  }
0x2e: {  	s3 =	simm.s32 @!p0 $0x1082;
	s9 =	sld [smem:$0x3FB2]  }
0x2f: {  	lr =	sadd.s32 s0, s3;
	s0 =	sld [smem:$0x3FA9]  }
0x30: {  	s3 =	sld [smem:$0x3FAC]  }
0x31: {  	[smem:$0x3FB5] =	sst s10  }
0x32: {  	s10 =	sld [smem:$0x3FB3];
	_ =	sdelay $0x3  }
0x33: {  	p0 =	seq.s32 s10, $0x1;
	s10 =	sld [smem:$0x3FB5];
	_ =	sdelay $0x3  }
0x34: {  	[smem:$0x3FB5] =	sst s10  }
0x35: {  	s10 =	sld [smem:$0x3FB4];
	_ =	sdelay $0x3  }
0x36: {  	p1 =	seq.s32 s10, $0x1;
	s10 =	sld [smem:$0x3FB5];
	_ =	sdelay $0x3  }
0x37: {  	[smem:$0x3FB5] =	sst s10  }
0x38: {  	s10 =	sld [smem:$0x3FB6]  }
0x39: {  	_ = 	snop;
	(pc) =	sbr.ind lr, $3  }
0x3a: {  	_ = 	snop  }
0x3b: {  	_ = 	snop  }
0x3c: {  	p2 =	seq.s32 s10, $0x1;
	s10 =	sld [smem:$0x3FB5]  }
0x3d: {  	_ =	shalt  }
0x3e: {  	_ =	shalt  }
0x3f: {  	_ =	shalt  }
0x40: {  	_ =	shalt  }
0x41: {  	_ =	shalt  }
0x42: {  	_ =	shalt  }
0x43: {  	_ =	shalt  }
0x44: {  	_ =	shalt  }
0x45: {  	_ =	shalt  }
0x46: {  	_ =	shalt  }
0x47: {  	_ =	shalt  }
0x48: {  	_ =	shalt  }
0x49: {  	_ =	shalt  }
0x4a: {  	_ =	shalt  }
0x4b: {  	_ =	shalt  }
0x4c: {  	_ =	shalt  }
0x4d: {  	_ =	shalt  }
0x4e: {  	_ =	shalt  }
0x4f: {  	_ =	shalt  }
0x50: {  	_ =	shalt  }
0x51: {  	_ =	shalt  }
0x52: {  	_ =	shalt  }
0x53: {  	_ =	shalt  }
0x54: {  	_ =	shalt  }
0x55: {  	_ =	shalt  }
0x56: {  	_ =	shalt  }
0x57: {  	_ =	shalt  }
0x58: {  	_ =	shalt  }
0x59: {  	_ =	shalt  }
0x5a: {  	_ =	shalt  }
0x5b: {  	_ =	shalt  }
0x5c: {  	_ =	shalt  }
0x5d: {  	_ =	shalt  }
0x5e: {  	_ =	shalt  }
0x5f: {  	_ =	shalt  }
0x60: {  	_ =	shalt  }
0x61: {  	_ =	shalt  }
0x62: {  	_ =	shalt  }
0x63: {  	_ =	shalt  }
0x64: {  	_ =	shalt  }
0x65: {  	_ =	shalt  }
0x66: {  	_ =	shalt  }
0x67: {  	_ =	shalt  }
0x68: {  	_ =	shalt  }
0x69: {  	_ =	shalt  }
0x6a: {  	_ =	shalt  }
0x6b: {  	_ =	shalt  }
0x6c: {  	_ =	shalt  }
0x6d: {  	_ =	shalt  }
0x6e: {  	_ =	shalt  }
0x6f: {  	_ =	shalt  }
0x70: {  	_ =	shalt  }
0x71: {  	_ =	shalt  }
0x72: {  	_ =	shalt  }
0x73: {  	_ =	shalt  }
0x74: {  	_ =	shalt  }
0x75: {  	_ =	shalt  }
0x76: {  	_ =	shalt  }
0x77: {  	_ =	shalt  }
0x78: {  	_ =	shalt  }
0x79: {  	_ =	shalt  }
0x7a: {  	_ =	shalt  }
0x7b: {  	_ =	shalt  }
0x7c: {  	_ =	shalt  }
0x7d: {  	_ =	shalt  }
0x7e: {  	_ =	shalt  }
0x7f: {  	_ =	shalt  }
0x80: {  	_ =	shalt  }
0x81: {  	_ =	shalt  }
0x82: {  	_ =	shalt  }
0x83: {  	_ =	shalt  }
0x84: {  	_ =	shalt  }
0x85: {  	_ =	shalt  }
0x86: {  	_ =	shalt  }
0x87: {  	_ =	shalt  }
.Lfunc_end0:
.L_simem_size_0:
called_computation_lowered:
.L_overlay_start_0:
0x88: {  	s2 =	sld [smem:$0x3FD9]  }
0x89: {  	s3 =	sld [smem:$0x3FFE];
	_ =	sdelay $0x1  }
0x8a: {  	s1 =	srdreg.scid  }
0x8b: {  	s0 =	sand.u32 $0x1, s1  }
0x8c: {  	s17 =	sshll.u32 s0, $0xA;
	s2 =	sadd.s32 s3, s2  }
0x8d: {  	s2 =	sadd.s32 s2, s17  }
0x8e: {  	[smem:$0x3FC1] =	sst s2  }
0x8f: {  	_ = 	snop  }
0x90: {  	s2 =	sld [smem:$0x3FC9]  }
0x91: {  	s18 =	sld [smem:$0x3FC8]  }
0x92: {  	s4 =	sld [smem:$0x3FC4]  }
0x93: {  	s5 =	sld [smem:$0x3FC3]  }
0x94: {  	s6 =	sld [smem:$0x3FD0];
	(tm) =	ssettm $0x1  }
0x95: {  	s7 =	sld [smem:$0x3FFB];
	_ =	sdelay $0x3  }
0x96: {  	_ =	strace s7  }
0x97: {  	s7 =	sld [smem:$0x3FFC];
	_ =	sdelay $0x3  }
0x98: {  	_ =	strace s7  }
0x99: {  	s7 =	sld [smem:$0x3FFD];
	_ =	sdelay $0x3  }
0x9a: {  	_ =	strace s7  }
0x9b: {  	_ =	strace $0x8FFFFFFF  }
0x9c: {  	s19 =	sld [smem:$0x3FDB];
	_ =	sdelay $0x1  }
0x9d: {  	s8 =	simm.s32 $_scs_section_size  }
0x9e: {  	s9 =	simm.s32 $_size__tile_overlayer_lowered;
	s10 =	simm.s32 $_tile_overlayer_lowered  }
0x9f: {  	s22 =	simm.s32 $0x1BFF;
	s21 =	sshll.u32 s10, $0x1;
	s7 =	sadd.s32 s8, s19  }
0xa0: {  	s11 =	simm.s32 $0x0;
	s20 =	sshll.u32 s9, $0x1;
	s9 =	sadd.s32 s21, s7  }
0xa1: {  	[timem:s11], [sflag:s22] =	dma.local [hbm:s9], s20  }
0xa2: {  	_ =	swait.ge [sflag:s22], s20  }
0xa3: {  	s8 =	ssub.s32 $0x0, s20;
	[sflag:s22] =	ssyncset.done $0x0  }
0xa4: {  	[sflag:s22] =	ssyncadd.s32 s8;
	_ =	sdelay $0x1  }
0xa5: {  	s23 =	simm.s32 $0x1B8B  }
0xa6: {  	_ =	swait.ge [sflag:s23], $0x1  }
0xa7: {  	[sflag:s23] =	ssyncset.done $0x0  }
0xa8: {  	s25 =	simm.s32 $0x1B8E;
	s24 =	sld [smem:$0x3FFE];
	[sflag:s23] =	ssyncadd.s32 $0xFFFFFFFF  }
0xa9: {  	s26 =	simm.s32 $execute0_lowered;
	[smem:$0x3FD2] =	sst s25  }
0xaa: {  	s9 =	sshll.u32 s26, $0x1;
	_ =	strace $0x80000046;
	[dreg:$0x1] =	wrdreg $0xFFFFFFFF  }
0xab: {  	s28 =	simm.s32 $_size_execute0_lowered;
	s7 =	sadd.s32 s7, s9;
	[dreg:$0x0] =	wrdreg $0x0  }
0xac: {  	s9 =	sshll.u32 s28, $0x1;
	[dreg:$0x2] =	wrdreg s7  }
0xad: {  	[dreg:$0x3] =	wrdreg s9  }
0xae: {  	[dreg:$0x4] =	wrdreg $0xC0  }
0xaf: {  	_ =	task [dreg:s11], $0x5FFFF  }
0xb0: {  	[dreg:$0x1] =	wrdreg $0xFFFFFFFF  }
0xb1: {  	[dreg:$0x0] =	wrdreg $0x60  }
0xb2: {  	[dreg:$0x2] =	wrdreg s2  }
0xb3: {  	[dreg:$0x3] =	wrdreg s18  }
0xb4: {  	[dreg:$0x4] =	wrdreg s4  }
0xb5: {  	[dreg:$0x5] =	wrdreg s5  }
0xb6: {  	[dreg:$0x6] =	wrdreg s24  }
0xb7: {  	[dreg:$0x7] =	wrdreg s6  }
0xb8: {  	[dreg:$0x8] =	wrdreg $0x9  }
0xb9: {  	_ =	task.clear_ibuf [dreg:s11], $0x9FFFF;
	_ =	strace $0x90000046  }
0xba: {  	s29 =	simm.s32 $0x9;
	_ =	strace $0x80000048  }
0xbb: {  	_ =	swait.ge [sflag:s29], $0x1  }
0xbc: {  	[sflag:s29] =	ssyncadd.s32 $0xFFFFFFFF  }
0xbd: {  	_ =	strace $0x90000048  }
0xbe: {  	_ =	sfence  }
0xbf: {  	s30 =	sld [smem:$0x0];
	_ =	sdelay $0x2  }
0xc0: {  	s31 =	sshll.u32 s1, $0xD;
	s1 =	sshrl.u32 s1, $0x2  }
0xc1: {  	s3 =	sand.u32 $0x4000, s31;
	s1 =	sadd.s32 s1, s30  }
0xc2: {  	s0 =	sor.u32 s3, s0;
	s1 =	sshll.u32 s1, $0x11  }
0xc3: {  	s0 =	sor.u32 s1, s0  }
0xc4: {  	s0 =	sadd.s32 $0x8F2B, s0  }
0xc5: {  	[sflag:s0] =	ssyncadd.remote.s32 $0x1  }
0xc6: {  	_ =	sfence.sel $0xFFFF  }
0xc7: {  	[dreg:$0x0] =	wrdreg $0xFFFFFFFF;
	(pc) =	sbr.abs _section_cstart, $3  }
0xc8: {  	[dreg:$0x1] =	wrdreg $0xFFFFFFFF  }
0xc9: {  	_ =	task.clear_ibuf [dreg:s11], $0x2FFFF;
	_ =	strace $0x9FFFFFFF  }
0xca: {  	(tm) =	ssettm $0x7FFFFFFF  }
0xcb: {  	_ =	shalt  }
tec
execute0_lowered:
.L_overlay_start_1:
0x0: {  	(tag) =	ssettag $0x1  }
0x1: {  	s1 =	rddreg [dreg:$0x0]  }
0x2: {  	s2 =	rddreg [dreg:$0x1]  }
0x3: {  	s3 =	rddreg [dreg:$0x2]  }
0x4: {  	s4 =	rddreg [dreg:$0x3]  }
0x5: {  	s8 =	rddreg [dreg:$0x4]  }
0x6: {  	s10 =	rddreg [dreg:$0x5]  }
0x7: {  	s0 =	rddreg [dreg:$0x6];
	s7 =	srdreg.scid;
	s6 =	simm.s32 $0x0  }
0x8: {  	s5 =	stileid.u32;
	s13 =	simm.s32 $0x3;
	s14 =	simm.s32 $0x80  }
0x9: {  	s15 =	simm.s32 $0x400;
	s16 =	simm.s32 $0x16500;
	s17 =	simm.s32 $0x1A500  }
0xa: {  	s18 =	simm.s32 $0x1;
	s19 =	simm.s32 $0x2;
	s20 =	simm.s32 $0x0  }
.Ltmp0:
0xb: {  	s7 =	sand.u32 $0x1, s7;
	[smem:$0x7FF] =	sst s6;
	(pc) =	sbr.rel .LBB2_1-.Ltmp0, $4  }
0xc: {  	s11 =	sshll.u32 s5, $0x1;
	s8 =	sadd.s32 $0x1000, s8;
	s9 =	ssub.s32 $0x2, s7  }
0xd: {  	s10 =	sadd.s32 $0x4000, s10;
	s7 =	sor.u32 s7, s11;
	s12 =	sshrl.u32 s9, $0x1  }
0xe: {  	_ =	strace $0x80000047;
	s31 =	sshll.u32 s7, $0x7;
	s30 =	ssub.s32 s9, s12  }
0xf: {  	s9 =	sand.u32 $0x380, s31;
	s12 =	simm.s32 $0x12500;
	s11 =	smax.u32 s30, $0x1  }
.LBB2_17:
0x10: {  	s20 =	sadd.s32 $0x1, s20  }
0x11: {  	_ =	swait.ge [sflag:s18], $0x4000;
	p0 =	sne.s32 s20, s11  }
.Ltmp1:
0x12: {  	[sflag:s18] =	ssyncset.done $0x0;
	(pc) =	sbr.rel @!p0 .LBB2_18-.Ltmp1, $4  }
0x13: {  	[sflag:s18] =	ssyncadd.s32 $0xFFFFC000  }
0x14: {  	_ =	swait.ge [sflag:s19], $0x4000  }
0x15: {  	[sflag:s19] =	ssyncset.done $0x0  }
0x16: {  	[sflag:s19] =	ssyncadd.s32 $0xFFFFC000  }
.LBB2_1:
.Ltmp2:
0x17: {  	(pc) =	sbr.rel .LBB2_2-.Ltmp2, $4  }
0x18: {  	[tilespmem:s12], [sflag:$0x3] =	stream.linear.gather [hbm4b:s3+s6], $0x4000, $0x38;
	[tilespmem:$0x1E500] =	vst v63  }
0x19: {  	_ =	swait.ge [sflag:s13], $0x4000  }
0x1a: {  	[sflag:s13] =	ssyncset.done $0x0  }
0x1b: {  	s21 =	simm.s32 $0x0;
	[sflag:s13] =	ssyncadd.s32 $0xFFFFC000  }
.LBB2_8:
0x1c: {  	s21 =	sadd.s32 $0x1, s21  }
0x1d: {  	p0 =	sne.s32 s21, $0x5  }
.Ltmp3:
0x1e: {  	_ = 	snop;
	(pc) =	sbr.rel @!p0 .LBB2_9-.Ltmp3, $1  }
0x1f: {  	_ =	sdelay $0x3  }
.LBB2_2:
0x20: {  	s22 =	sshll.u32 s21, $0x6  }
0x21: {  	s22 =	sor.u32 s7, s22  }
0x22: {  	s23 =	sshrl.u32 s22, $0x3  }
0x23: {  	s24 =	smul.u32 $0x92800, s23;
	_ =	sdelay $0x1  }
0x24: {  	s24 =	sor.u32 s9, s24  }
0x25: {  	s24 =	sshrl.u32 s24, $0x3  }
0x26: {  	s24 =	sadd.s32 s1, s24  }
0x27: {  	[tilespmem:s6], [sflag:$0x3] =	stream.strided.gather [hbm4b:s24+s14], $0x12500, s15, s14, $0x38;
	[tilespmem:$0x1E500] =	vst v63  }
0x28: {  	_ =	swait.ge [sflag:s13], $0x12500  }
0x29: {  	p0 =	seq.s32 s21, $0x0;
	[sflag:s13] =	ssyncset.done $0x0  }
0x2a: {  	s24 =	simm.s32 @!p0 $0x1;
	[sflag:s13] =	ssyncadd.s32 $0xFFFEDB00  }
0x2b: {  	_ =	swait.ge @!p0 [sflag:s24], $0x4000  }
0x2c: {  	[sflag:s24] =	ssyncset.done @!p0 $0x0  }
0x2d: {  	[sflag:s24] =	ssyncadd.s32 @!p0 $0xFFFFC000;
	s24 =	simm.s32 $0x0  }
0x2e: {  	v0 =	vld [tilespmem:s24+$0x12500]  }
0x2f: {  	v1 =	vld [tilespmem:s24+$0x12570]  }
0x30: {  	v2 =	vld [tilespmem:s24+$0x12510]  }
0x31: {  	v3 =	vld [tilespmem:s24+$0x12520]  }
0x32: {  	v4 =	vld [tilespmem:s24+$0x12530]  }
0x33: {  	v7 =	vld [tilespmem:s24+$0x12540]  }
0x34: {  	v8 =	vld [tilespmem:s24+$0x12550]  }
0x35: {  	v9 =	vld [tilespmem:s24+$0x12560]  }
0x36: {  	v10 =	vld.idx.msk [tilespmem:v0+s6+$0x0], $0xffff  }
0x37: {  	v0 =	vld.idx.msk [tilespmem:v1+s6+$0x0], $0xffff  }
0x38: {  	v6 =	vld.idx.msk [tilespmem:v2+s6+$0x0], $0xffff  }
0x39: {  	v5 =	vld.idx.msk [tilespmem:v3+s6+$0x0], $0xffff  }
0x3a: {  	v4 =	vld.idx.msk [tilespmem:v4+s6+$0x0], $0xffff  }
0x3b: {  	v3 =	vld.idx.msk [tilespmem:v7+s6+$0x0], $0xffff  }
0x3c: {  	v2 =	vld.idx.msk [tilespmem:v8+s6+$0x0], $0xffff  }
0x3d: {  	s25 =	simm.s32 $0x80;
	v1 =	vld.idx.msk [tilespmem:v9+s6+$0x0], $0xffff;
	[tilespmem:s24+$0x16570] =	vst v0  }
0x3e: {  	s26 =	simm.s32 $0x400;
	v0 =	vld [tilespmem:s25+$0x12500];
	[tilespmem:s24+$0x16500] =	vst v10  }
.LBB2_3:
0x3f: {  	p1 =	sne.s32 s26, $0xFE00;
	v7 =	vld [tilespmem:s25+$0x12570];
	[tilespmem:s24+$0x16510] =	vst v6  }
0x40: {  	v6 =	vld [tilespmem:s25+$0x12510];
	[tilespmem:s24+$0x16520] =	vst v5  }
0x41: {  	v5 =	vld [tilespmem:s25+$0x12520];
	[tilespmem:s24+$0x16530] =	vst v4  }
0x42: {  	v4 =	vld [tilespmem:s25+$0x12530];
	[tilespmem:s24+$0x16540] =	vst v3  }
0x43: {  	v3 =	vld [tilespmem:s25+$0x12540];
	[tilespmem:s24+$0x16550] =	vst v2  }
0x44: {  	v2 =	vld [tilespmem:s25+$0x12550];
	[tilespmem:s24+$0x16560] =	vst v1;
	s24 =	smov.u32 s25  }
0x45: {  	v1 =	vld [tilespmem:s24+$0x12560]  }
0x46: {  	v8 =	vld.idx.msk [tilespmem:v0+s6+$0x0], $0xffff  }
0x47: {  	v0 =	vld.idx.msk [tilespmem:v7+s6+$0x0], $0xffff  }
0x48: {  	v6 =	vld.idx.msk [tilespmem:v6+s6+$0x0], $0xffff  }
0x49: {  	v5 =	vld.idx.msk [tilespmem:v5+s6+$0x0], $0xffff  }
.Ltmp4:
0x4a: {  	v4 =	vld.idx.msk [tilespmem:v4+s6+$0x0], $0xffff;
	(pc) =	sbr.rel @p1 .LBB2_3-.Ltmp4, $4  }
0x4b: {  	v3 =	vld.idx.msk [tilespmem:v3+s6+$0x0], $0xffff  }
0x4c: {  	v2 =	vld.idx.msk [tilespmem:v2+s6+$0x0], $0xffff  }
0x4d: {  	s25 =	sshra.s32 s26, $0x2;
	v1 =	vld.idx.msk [tilespmem:v1+s6+$0x0], $0xffff;
	[tilespmem:s24+$0x16570] =	vst v0  }
0x4e: {  	s26 =	sadd.s32 $0x200, s26;
	v0 =	vld [tilespmem:s25+$0x12500];
	[tilespmem:s24+$0x16500] =	vst v8  }
0x4f: {  	_ = 	snop  }
0x50: {  	v7 =	vld [tilespmem:s25+$0x12570];
	[tilespmem:s24+$0x16510] =	vst v6  }
0x51: {  	v6 =	vld [tilespmem:s25+$0x12510];
	[tilespmem:s24+$0x16520] =	vst v5  }
0x52: {  	v5 =	vld [tilespmem:s25+$0x12520];
	[tilespmem:s24+$0x16530] =	vst v4  }
0x53: {  	v4 =	vld [tilespmem:s25+$0x12530];
	[tilespmem:s24+$0x16540] =	vst v3  }
0x54: {  	v3 =	vld [tilespmem:s25+$0x12540];
	[tilespmem:s24+$0x16550] =	vst v2  }
0x55: {  	v2 =	vld [tilespmem:s25+$0x12550];
	[tilespmem:s24+$0x16560] =	vst v1  }
0x56: {  	v1 =	vld [tilespmem:s25+$0x12560]  }
0x57: {  	v0 =	vld.idx.msk [tilespmem:v0+s6+$0x0], $0xffff  }
0x58: {  	v7 =	vld.idx.msk [tilespmem:v7+s6+$0x0], $0xffff  }
0x59: {  	v6 =	vld.idx.msk [tilespmem:v6+s6+$0x0], $0xffff  }
0x5a: {  	v5 =	vld.idx.msk [tilespmem:v5+s6+$0x0], $0xffff  }
0x5b: {  	v4 =	vld.idx.msk [tilespmem:v4+s6+$0x0], $0xffff  }
0x5c: {  	v3 =	vld.idx.msk [tilespmem:v3+s6+$0x0], $0xffff  }
0x5d: {  	v2 =	vld.idx.msk [tilespmem:v2+s6+$0x0], $0xffff  }
0x5e: {  	v1 =	vld.idx.msk [tilespmem:v1+s6+$0x0], $0xffff;
	[tilespmem:s25+$0x16570] =	vst v7  }
0x5f: {  	[tilespmem:s25+$0x16500] =	vst v0  }
0x60: {  	s22 =	sor.u32 $0x20, s22;
	[tilespmem:s25+$0x16510] =	vst v6  }
0x61: {  	p1 =	sgt.u32 s22, $0x12B;
	[tilespmem:s25+$0x16520] =	vst v5  }
.Ltmp5:
0x62: {  	s23 =	sshll.u32 s23, $0x11;
	[tilespmem:s25+$0x16530] =	vst v4;
	(pc) =	sbr.rel @p1 .LBB2_8-.Ltmp5, $4  }
0x63: {  	s23 =	sor.u32 s9, s23;
	[tilespmem:s25+$0x16540] =	vst v3  }
0x64: {  	s23 =	sshrl.u32 s23, $0x3;
	[tilespmem:s25+$0x16550] =	vst v2  }
0x65: {  	s23 =	sadd.s32 s8, s23;
	[tilespmem:s25+$0x16560] =	vst v1  }
0x66: {  	[hbm4b:s23+s14] =	stream.strided.scatter [tilespmem:s16], [sflag:$0x1], $0x4000, s15, s14, $0x38;
	[tilespmem:$0x1E500] =	vst v63  }
0x67: {  	s22 =	sshrl.u32 s22, $0x3  }
0x68: {  	s23 =	smul.u32 $0x92800, s22;
	_ =	sdelay $0x1  }
0x69: {  	s23 =	sor.u32 s9, s23  }
0x6a: {  	s23 =	sshrl.u32 s23, $0x3  }
0x6b: {  	s23 =	sadd.s32 s1, s23  }
0x6c: {  	[tilespmem:s6], [sflag:$0x3] =	stream.strided.gather [hbm4b:s23+s14], $0x12500, s15, s14, $0x38;
	[tilespmem:$0x1E500] =	vst v63  }
0x6d: {  	_ =	swait.ge [sflag:s13], $0x12500  }
0x6e: {  	[sflag:s13] =	ssyncset.done $0x0  }
0x6f: {  	s23 =	simm.s32 @!p0 $0x2;
	[sflag:s13] =	ssyncadd.s32 $0xFFFEDB00  }
0x70: {  	_ =	swait.ge @!p0 [sflag:s23], $0x4000  }
0x71: {  	[sflag:s23] =	ssyncset.done @!p0 $0x0  }
0x72: {  	[sflag:s23] =	ssyncadd.s32 @!p0 $0xFFFFC000;
	s23 =	simm.s32 $0x0  }
0x73: {  	v0 =	vld [tilespmem:s23+$0x12500]  }
0x74: {  	v1 =	vld [tilespmem:s23+$0x12570]  }
0x75: {  	v2 =	vld [tilespmem:s23+$0x12510]  }
0x76: {  	v3 =	vld [tilespmem:s23+$0x12520]  }
0x77: {  	v4 =	vld [tilespmem:s23+$0x12530]  }
0x78: {  	v7 =	vld [tilespmem:s23+$0x12540]  }
0x79: {  	v8 =	vld [tilespmem:s23+$0x12550]  }
0x7a: {  	v9 =	vld [tilespmem:s23+$0x12560]  }
0x7b: {  	v10 =	vld.idx.msk [tilespmem:v0+s6+$0x0], $0xffff  }
0x7c: {  	v0 =	vld.idx.msk [tilespmem:v1+s6+$0x0], $0xffff  }
0x7d: {  	v6 =	vld.idx.msk [tilespmem:v2+s6+$0x0], $0xffff  }
0x7e: {  	v5 =	vld.idx.msk [tilespmem:v3+s6+$0x0], $0xffff  }
0x7f: {  	v4 =	vld.idx.msk [tilespmem:v4+s6+$0x0], $0xffff  }
0x80: {  	v3 =	vld.idx.msk [tilespmem:v7+s6+$0x0], $0xffff  }
0x81: {  	v2 =	vld.idx.msk [tilespmem:v8+s6+$0x0], $0xffff  }
0x82: {  	s24 =	simm.s32 $0x80;
	v1 =	vld.idx.msk [tilespmem:v9+s6+$0x0], $0xffff;
	[tilespmem:s23+$0x1A570] =	vst v0  }
0x83: {  	s25 =	simm.s32 $0x400;
	v0 =	vld [tilespmem:s24+$0x12500];
	[tilespmem:s23+$0x1A500] =	vst v10  }
.LBB2_6:
0x84: {  	p0 =	sne.s32 s25, $0xFE00;
	v7 =	vld [tilespmem:s24+$0x12570];
	[tilespmem:s23+$0x1A510] =	vst v6  }
0x85: {  	v6 =	vld [tilespmem:s24+$0x12510];
	[tilespmem:s23+$0x1A520] =	vst v5  }
0x86: {  	v5 =	vld [tilespmem:s24+$0x12520];
	[tilespmem:s23+$0x1A530] =	vst v4  }
0x87: {  	v4 =	vld [tilespmem:s24+$0x12530];
	[tilespmem:s23+$0x1A540] =	vst v3  }
0x88: {  	v3 =	vld [tilespmem:s24+$0x12540];
	[tilespmem:s23+$0x1A550] =	vst v2  }
0x89: {  	v2 =	vld [tilespmem:s24+$0x12550];
	[tilespmem:s23+$0x1A560] =	vst v1;
	s23 =	smov.u32 s24  }
0x8a: {  	v1 =	vld [tilespmem:s23+$0x12560]  }
0x8b: {  	v8 =	vld.idx.msk [tilespmem:v0+s6+$0x0], $0xffff  }
0x8c: {  	v0 =	vld.idx.msk [tilespmem:v7+s6+$0x0], $0xffff  }
0x8d: {  	v6 =	vld.idx.msk [tilespmem:v6+s6+$0x0], $0xffff  }
0x8e: {  	v5 =	vld.idx.msk [tilespmem:v5+s6+$0x0], $0xffff  }
.Ltmp6:
0x8f: {  	v4 =	vld.idx.msk [tilespmem:v4+s6+$0x0], $0xffff;
	(pc) =	sbr.rel @p0 .LBB2_6-.Ltmp6, $4  }
0x90: {  	v3 =	vld.idx.msk [tilespmem:v3+s6+$0x0], $0xffff  }
0x91: {  	v2 =	vld.idx.msk [tilespmem:v2+s6+$0x0], $0xffff  }
0x92: {  	s24 =	sshra.s32 s25, $0x2;
	v1 =	vld.idx.msk [tilespmem:v1+s6+$0x0], $0xffff;
	[tilespmem:s23+$0x1A570] =	vst v0  }
0x93: {  	s25 =	sadd.s32 $0x200, s25;
	v0 =	vld [tilespmem:s24+$0x12500];
	[tilespmem:s23+$0x1A500] =	vst v8  }
0x94: {  	_ = 	snop  }
0x95: {  	v7 =	vld [tilespmem:s24+$0x12570];
	[tilespmem:s23+$0x1A510] =	vst v6  }
0x96: {  	v6 =	vld [tilespmem:s24+$0x12510];
	[tilespmem:s23+$0x1A520] =	vst v5  }
0x97: {  	v5 =	vld [tilespmem:s24+$0x12520];
	[tilespmem:s23+$0x1A530] =	vst v4  }
0x98: {  	v4 =	vld [tilespmem:s24+$0x12530];
	[tilespmem:s23+$0x1A540] =	vst v3  }
0x99: {  	v3 =	vld [tilespmem:s24+$0x12540];
	[tilespmem:s23+$0x1A550] =	vst v2  }
0x9a: {  	v2 =	vld [tilespmem:s24+$0x12550];
	[tilespmem:s23+$0x1A560] =	vst v1  }
0x9b: {  	v1 =	vld [tilespmem:s24+$0x12560]  }
0x9c: {  	v0 =	vld.idx.msk [tilespmem:v0+s6+$0x0], $0xffff  }
0x9d: {  	v7 =	vld.idx.msk [tilespmem:v7+s6+$0x0], $0xffff  }
0x9e: {  	v6 =	vld.idx.msk [tilespmem:v6+s6+$0x0], $0xffff  }
0x9f: {  	v5 =	vld.idx.msk [tilespmem:v5+s6+$0x0], $0xffff  }
0xa0: {  	v4 =	vld.idx.msk [tilespmem:v4+s6+$0x0], $0xffff  }
0xa1: {  	v3 =	vld.idx.msk [tilespmem:v3+s6+$0x0], $0xffff  }
0xa2: {  	v2 =	vld.idx.msk [tilespmem:v2+s6+$0x0], $0xffff  }
0xa3: {  	v1 =	vld.idx.msk [tilespmem:v1+s6+$0x0], $0xffff;
	[tilespmem:s24+$0x1A570] =	vst v7  }
0xa4: {  	[tilespmem:s24+$0x1A500] =	vst v0  }
0xa5: {  	[tilespmem:s24+$0x1A510] =	vst v6  }
0xa6: {  	[tilespmem:s24+$0x1A520] =	vst v5  }
.Ltmp7:
0xa7: {  	s22 =	sshll.u32 s22, $0x11;
	[tilespmem:s24+$0x1A530] =	vst v4;
	(pc) =	sbr.rel .LBB2_8-.Ltmp7, $4  }
0xa8: {  	s22 =	sor.u32 s9, s22;
	[tilespmem:s24+$0x1A540] =	vst v3  }
0xa9: {  	s22 =	sshrl.u32 s22, $0x3;
	[tilespmem:s24+$0x1A550] =	vst v2  }
0xaa: {  	s22 =	sadd.s32 s8, s22;
	[tilespmem:s24+$0x1A560] =	vst v1  }
0xab: {  	[hbm4b:s22+s14] =	stream.strided.scatter [tilespmem:s17], [sflag:$0x2], $0x4000, s15, s14, $0x38;
	[tilespmem:$0x1E500] =	vst v63  }
.LBB2_9:
0xac: {  	_ =	swait.ge [sflag:s18], $0x4000  }
0xad: {  	[sflag:s18] =	ssyncset.done $0x0  }
0xae: {  	[sflag:s18] =	ssyncadd.s32 $0xFFFFC000  }
0xaf: {  	_ =	swait.ge [sflag:s19], $0x4000  }
0xb0: {  	[sflag:s19] =	ssyncset.done $0x0  }
.Ltmp8:
0xb1: {  	s21 =	simm.s32 $0x0;
	[sflag:s19] =	ssyncadd.s32 $0xFFFFC000;
	(pc) =	sbr.rel .LBB2_10-.Ltmp8, $4  }
0xb2: {  	[tilespmem:s12], [sflag:$0x3] =	stream.linear.gather [hbm4b:s4+s21], $0x4000, $0x38;
	[tilespmem:$0x1E500] =	vst v63  }
0xb3: {  	_ =	swait.ge [sflag:s13], $0x4000  }
0xb4: {  	[sflag:s13] =	ssyncset.done $0x0  }
0xb5: {  	[sflag:s13] =	ssyncadd.s32 $0xFFFFC000  }
.LBB2_16:
0xb6: {  	s21 =	sadd.s32 $0x1, s21  }
0xb7: {  	p0 =	sne.s32 s21, $0x5  }
.Ltmp9:
0xb8: {  	_ = 	snop;
	(pc) =	sbr.rel @!p0 .LBB2_17-.Ltmp9, $1  }
0xb9: {  	_ =	sdelay $0x3  }
.LBB2_10:
0xba: {  	s22 =	sshll.u32 s21, $0x6  }
0xbb: {  	s22 =	sor.u32 s7, s22  }
0xbc: {  	s23 =	sshrl.u32 s22, $0x3  }
0xbd: {  	s24 =	smul.u32 $0x92800, s23;
	_ =	sdelay $0x1  }
0xbe: {  	s24 =	sor.u32 s9, s24  }
0xbf: {  	s24 =	sshrl.u32 s24, $0x3  }
0xc0: {  	s24 =	sadd.s32 s2, s24  }
0xc1: {  	[tilespmem:s6], [sflag:$0x3] =	stream.strided.gather [hbm4b:s24+s14], $0x12500, s15, s14, $0x38;
	[tilespmem:$0x1E500] =	vst v63  }
0xc2: {  	_ =	swait.ge [sflag:s13], $0x12500  }
0xc3: {  	p0 =	seq.s32 s21, $0x0;
	[sflag:s13] =	ssyncset.done $0x0  }
0xc4: {  	s24 =	simm.s32 @!p0 $0x1;
	[sflag:s13] =	ssyncadd.s32 $0xFFFEDB00  }
0xc5: {  	_ =	swait.ge @!p0 [sflag:s24], $0x4000  }
0xc6: {  	[sflag:s24] =	ssyncset.done @!p0 $0x0  }
0xc7: {  	[sflag:s24] =	ssyncadd.s32 @!p0 $0xFFFFC000;
	s24 =	simm.s32 $0x0  }
0xc8: {  	v0 =	vld [tilespmem:s24+$0x12500]  }
0xc9: {  	v1 =	vld [tilespmem:s24+$0x12570]  }
0xca: {  	v2 =	vld [tilespmem:s24+$0x12510]  }
0xcb: {  	v3 =	vld [tilespmem:s24+$0x12520]  }
0xcc: {  	v4 =	vld [tilespmem:s24+$0x12530]  }
0xcd: {  	v7 =	vld [tilespmem:s24+$0x12540]  }
0xce: {  	v8 =	vld [tilespmem:s24+$0x12550]  }
0xcf: {  	v9 =	vld [tilespmem:s24+$0x12560]  }
0xd0: {  	v10 =	vld.idx.msk [tilespmem:v0+s6+$0x0], $0xffff  }
0xd1: {  	v0 =	vld.idx.msk [tilespmem:v1+s6+$0x0], $0xffff  }
0xd2: {  	v6 =	vld.idx.msk [tilespmem:v2+s6+$0x0], $0xffff  }
0xd3: {  	v5 =	vld.idx.msk [tilespmem:v3+s6+$0x0], $0xffff  }
0xd4: {  	v4 =	vld.idx.msk [tilespmem:v4+s6+$0x0], $0xffff  }
0xd5: {  	v3 =	vld.idx.msk [tilespmem:v7+s6+$0x0], $0xffff  }
0xd6: {  	v2 =	vld.idx.msk [tilespmem:v8+s6+$0x0], $0xffff  }
0xd7: {  	s25 =	simm.s32 $0x80;
	v1 =	vld.idx.msk [tilespmem:v9+s6+$0x0], $0xffff;
	[tilespmem:s24+$0x16570] =	vst v0  }
0xd8: {  	s26 =	simm.s32 $0x400;
	v0 =	vld [tilespmem:s25+$0x12500];
	[tilespmem:s24+$0x16500] =	vst v10  }
.LBB2_11:
0xd9: {  	p1 =	sne.s32 s26, $0xFE00;
	v7 =	vld [tilespmem:s25+$0x12570];
	[tilespmem:s24+$0x16510] =	vst v6  }
0xda: {  	v6 =	vld [tilespmem:s25+$0x12510];
	[tilespmem:s24+$0x16520] =	vst v5  }
0xdb: {  	v5 =	vld [tilespmem:s25+$0x12520];
	[tilespmem:s24+$0x16530] =	vst v4  }
0xdc: {  	v4 =	vld [tilespmem:s25+$0x12530];
	[tilespmem:s24+$0x16540] =	vst v3  }
0xdd: {  	v3 =	vld [tilespmem:s25+$0x12540];
	[tilespmem:s24+$0x16550] =	vst v2  }
0xde: {  	v2 =	vld [tilespmem:s25+$0x12550];
	[tilespmem:s24+$0x16560] =	vst v1;
	s24 =	smov.u32 s25  }
0xdf: {  	v1 =	vld [tilespmem:s24+$0x12560]  }
0xe0: {  	v8 =	vld.idx.msk [tilespmem:v0+s6+$0x0], $0xffff  }
0xe1: {  	v0 =	vld.idx.msk [tilespmem:v7+s6+$0x0], $0xffff  }
0xe2: {  	v6 =	vld.idx.msk [tilespmem:v6+s6+$0x0], $0xffff  }
0xe3: {  	v5 =	vld.idx.msk [tilespmem:v5+s6+$0x0], $0xffff  }
.Ltmp10:
0xe4: {  	v4 =	vld.idx.msk [tilespmem:v4+s6+$0x0], $0xffff;
	(pc) =	sbr.rel @p1 .LBB2_11-.Ltmp10, $4  }
0xe5: {  	v3 =	vld.idx.msk [tilespmem:v3+s6+$0x0], $0xffff  }
0xe6: {  	v2 =	vld.idx.msk [tilespmem:v2+s6+$0x0], $0xffff  }
0xe7: {  	s25 =	sshra.s32 s26, $0x2;
	v1 =	vld.idx.msk [tilespmem:v1+s6+$0x0], $0xffff;
	[tilespmem:s24+$0x16570] =	vst v0  }
0xe8: {  	s26 =	sadd.s32 $0x200, s26;
	v0 =	vld [tilespmem:s25+$0x12500];
	[tilespmem:s24+$0x16500] =	vst v8  }
0xe9: {  	_ = 	snop  }
0xea: {  	v7 =	vld [tilespmem:s25+$0x12570];
	[tilespmem:s24+$0x16510] =	vst v6  }
0xeb: {  	v6 =	vld [tilespmem:s25+$0x12510];
	[tilespmem:s24+$0x16520] =	vst v5  }
0xec: {  	v5 =	vld [tilespmem:s25+$0x12520];
	[tilespmem:s24+$0x16530] =	vst v4  }
0xed: {  	v4 =	vld [tilespmem:s25+$0x12530];
	[tilespmem:s24+$0x16540] =	vst v3  }
0xee: {  	v3 =	vld [tilespmem:s25+$0x12540];
	[tilespmem:s24+$0x16550] =	vst v2  }
0xef: {  	v2 =	vld [tilespmem:s25+$0x12550];
	[tilespmem:s24+$0x16560] =	vst v1  }
0xf0: {  	v1 =	vld [tilespmem:s25+$0x12560]  }
0xf1: {  	v0 =	vld.idx.msk [tilespmem:v0+s6+$0x0], $0xffff  }
0xf2: {  	v7 =	vld.idx.msk [tilespmem:v7+s6+$0x0], $0xffff  }
0xf3: {  	v6 =	vld.idx.msk [tilespmem:v6+s6+$0x0], $0xffff  }
0xf4: {  	v5 =	vld.idx.msk [tilespmem:v5+s6+$0x0], $0xffff  }
0xf5: {  	v4 =	vld.idx.msk [tilespmem:v4+s6+$0x0], $0xffff  }
0xf6: {  	v3 =	vld.idx.msk [tilespmem:v3+s6+$0x0], $0xffff  }
0xf7: {  	v2 =	vld.idx.msk [tilespmem:v2+s6+$0x0], $0xffff  }
0xf8: {  	v1 =	vld.idx.msk [tilespmem:v1+s6+$0x0], $0xffff;
	[tilespmem:s25+$0x16570] =	vst v7  }
0xf9: {  	[tilespmem:s25+$0x16500] =	vst v0  }
0xfa: {  	s22 =	sor.u32 $0x20, s22;
	[tilespmem:s25+$0x16510] =	vst v6  }
0xfb: {  	p1 =	sgt.u32 s22, $0x12B;
	[tilespmem:s25+$0x16520] =	vst v5  }
.Ltmp11:
0xfc: {  	s23 =	sshll.u32 s23, $0x12;
	[tilespmem:s25+$0x16530] =	vst v4;
	(pc) =	sbr.rel @p1 .LBB2_16-.Ltmp11, $4  }
0xfd: {  	s23 =	sor.u32 s9, s23;
	[tilespmem:s25+$0x16540] =	vst v3  }
0xfe: {  	s23 =	sshrl.u32 s23, $0x3;
	[tilespmem:s25+$0x16550] =	vst v2  }
0xff: {  	s23 =	sadd.s32 s23, s10;
	[tilespmem:s25+$0x16560] =	vst v1  }
0x100: {  	[hbm4b:s23+s14] =	stream.strided.scatter [tilespmem:s16], [sflag:$0x1], $0x4000, s15, s14, $0x38;
	[tilespmem:$0x1E500] =	vst v63  }
0x101: {  	s22 =	sshrl.u32 s22, $0x3  }
0x102: {  	s23 =	smul.u32 $0x92800, s22;
	_ =	sdelay $0x1  }
0x103: {  	s23 =	sor.u32 s9, s23  }
0x104: {  	s23 =	sshrl.u32 s23, $0x3  }
0x105: {  	s23 =	sadd.s32 s2, s23  }
0x106: {  	[tilespmem:s6], [sflag:$0x3] =	stream.strided.gather [hbm4b:s23+s14], $0x12500, s15, s14, $0x38;
	[tilespmem:$0x1E500] =	vst v63  }
0x107: {  	_ =	swait.ge [sflag:s13], $0x12500  }
0x108: {  	[sflag:s13] =	ssyncset.done $0x0  }
0x109: {  	s23 =	simm.s32 @!p0 $0x2;
	[sflag:s13] =	ssyncadd.s32 $0xFFFEDB00  }
0x10a: {  	_ =	swait.ge @!p0 [sflag:s23], $0x4000  }
0x10b: {  	[sflag:s23] =	ssyncset.done @!p0 $0x0  }
0x10c: {  	[sflag:s23] =	ssyncadd.s32 @!p0 $0xFFFFC000;
	s23 =	simm.s32 $0x0  }
0x10d: {  	v0 =	vld [tilespmem:s23+$0x12500]  }
0x10e: {  	v1 =	vld [tilespmem:s23+$0x12570]  }
0x10f: {  	v2 =	vld [tilespmem:s23+$0x12510]  }
0x110: {  	v3 =	vld [tilespmem:s23+$0x12520]  }
0x111: {  	v4 =	vld [tilespmem:s23+$0x12530]  }
0x112: {  	v7 =	vld [tilespmem:s23+$0x12540]  }
0x113: {  	v8 =	vld [tilespmem:s23+$0x12550]  }
0x114: {  	v9 =	vld [tilespmem:s23+$0x12560]  }
0x115: {  	v10 =	vld.idx.msk [tilespmem:v0+s6+$0x0], $0xffff  }
0x116: {  	v0 =	vld.idx.msk [tilespmem:v1+s6+$0x0], $0xffff  }
0x117: {  	v6 =	vld.idx.msk [tilespmem:v2+s6+$0x0], $0xffff  }
0x118: {  	v5 =	vld.idx.msk [tilespmem:v3+s6+$0x0], $0xffff  }
0x119: {  	v4 =	vld.idx.msk [tilespmem:v4+s6+$0x0], $0xffff  }
0x11a: {  	v3 =	vld.idx.msk [tilespmem:v7+s6+$0x0], $0xffff  }
0x11b: {  	v2 =	vld.idx.msk [tilespmem:v8+s6+$0x0], $0xffff  }
0x11c: {  	s24 =	simm.s32 $0x80;
	v1 =	vld.idx.msk [tilespmem:v9+s6+$0x0], $0xffff;
	[tilespmem:s23+$0x1A570] =	vst v0  }
0x11d: {  	s25 =	simm.s32 $0x400;
	v0 =	vld [tilespmem:s24+$0x12500];
	[tilespmem:s23+$0x1A500] =	vst v10  }
.LBB2_14:
0x11e: {  	p0 =	sne.s32 s25, $0xFE00;
	v7 =	vld [tilespmem:s24+$0x12570];
	[tilespmem:s23+$0x1A510] =	vst v6  }
0x11f: {  	v6 =	vld [tilespmem:s24+$0x12510];
	[tilespmem:s23+$0x1A520] =	vst v5  }
0x120: {  	v5 =	vld [tilespmem:s24+$0x12520];
	[tilespmem:s23+$0x1A530] =	vst v4  }
0x121: {  	v4 =	vld [tilespmem:s24+$0x12530];
	[tilespmem:s23+$0x1A540] =	vst v3  }
0x122: {  	v3 =	vld [tilespmem:s24+$0x12540];
	[tilespmem:s23+$0x1A550] =	vst v2  }
0x123: {  	v2 =	vld [tilespmem:s24+$0x12550];
	[tilespmem:s23+$0x1A560] =	vst v1;
	s23 =	smov.u32 s24  }
0x124: {  	v1 =	vld [tilespmem:s23+$0x12560]  }
0x125: {  	v8 =	vld.idx.msk [tilespmem:v0+s6+$0x0], $0xffff  }
0x126: {  	v0 =	vld.idx.msk [tilespmem:v7+s6+$0x0], $0xffff  }
0x127: {  	v6 =	vld.idx.msk [tilespmem:v6+s6+$0x0], $0xffff  }
0x128: {  	v5 =	vld.idx.msk [tilespmem:v5+s6+$0x0], $0xffff  }
.Ltmp12:
0x129: {  	v4 =	vld.idx.msk [tilespmem:v4+s6+$0x0], $0xffff;
	(pc) =	sbr.rel @p0 .LBB2_14-.Ltmp12, $4  }
0x12a: {  	v3 =	vld.idx.msk [tilespmem:v3+s6+$0x0], $0xffff  }
0x12b: {  	v2 =	vld.idx.msk [tilespmem:v2+s6+$0x0], $0xffff  }
0x12c: {  	s24 =	sshra.s32 s25, $0x2;
	v1 =	vld.idx.msk [tilespmem:v1+s6+$0x0], $0xffff;
	[tilespmem:s23+$0x1A570] =	vst v0  }
0x12d: {  	s25 =	sadd.s32 $0x200, s25;
	v0 =	vld [tilespmem:s24+$0x12500];
	[tilespmem:s23+$0x1A500] =	vst v8  }
0x12e: {  	_ = 	snop  }
0x12f: {  	v7 =	vld [tilespmem:s24+$0x12570];
	[tilespmem:s23+$0x1A510] =	vst v6  }
0x130: {  	v6 =	vld [tilespmem:s24+$0x12510];
	[tilespmem:s23+$0x1A520] =	vst v5  }
0x131: {  	v5 =	vld [tilespmem:s24+$0x12520];
	[tilespmem:s23+$0x1A530] =	vst v4  }
0x132: {  	v4 =	vld [tilespmem:s24+$0x12530];
	[tilespmem:s23+$0x1A540] =	vst v3  }
0x133: {  	v3 =	vld [tilespmem:s24+$0x12540];
	[tilespmem:s23+$0x1A550] =	vst v2  }
0x134: {  	v2 =	vld [tilespmem:s24+$0x12550];
	[tilespmem:s23+$0x1A560] =	vst v1  }
0x135: {  	v1 =	vld [tilespmem:s24+$0x12560]  }
0x136: {  	v0 =	vld.idx.msk [tilespmem:v0+s6+$0x0], $0xffff  }
0x137: {  	v7 =	vld.idx.msk [tilespmem:v7+s6+$0x0], $0xffff  }
0x138: {  	v6 =	vld.idx.msk [tilespmem:v6+s6+$0x0], $0xffff  }
0x139: {  	v5 =	vld.idx.msk [tilespmem:v5+s6+$0x0], $0xffff  }
0x13a: {  	v4 =	vld.idx.msk [tilespmem:v4+s6+$0x0], $0xffff  }
0x13b: {  	v3 =	vld.idx.msk [tilespmem:v3+s6+$0x0], $0xffff  }
0x13c: {  	v2 =	vld.idx.msk [tilespmem:v2+s6+$0x0], $0xffff  }
0x13d: {  	v1 =	vld.idx.msk [tilespmem:v1+s6+$0x0], $0xffff;
	[tilespmem:s24+$0x1A570] =	vst v7  }
0x13e: {  	[tilespmem:s24+$0x1A500] =	vst v0  }
0x13f: {  	[tilespmem:s24+$0x1A510] =	vst v6  }
0x140: {  	[tilespmem:s24+$0x1A520] =	vst v5  }
.Ltmp13:
0x141: {  	s22 =	sshll.u32 s22, $0x12;
	[tilespmem:s24+$0x1A530] =	vst v4;
	(pc) =	sbr.rel .LBB2_16-.Ltmp13, $4  }
0x142: {  	s22 =	sor.u32 s9, s22;
	[tilespmem:s24+$0x1A540] =	vst v3  }
0x143: {  	s22 =	sshrl.u32 s22, $0x3;
	[tilespmem:s24+$0x1A550] =	vst v2  }
0x144: {  	s22 =	sadd.s32 s22, s10;
	[tilespmem:s24+$0x1A560] =	vst v1  }
0x145: {  	[hbm4b:s22+s14] =	stream.strided.scatter [tilespmem:s17], [sflag:$0x2], $0x4000, s15, s14, $0x38;
	[tilespmem:$0x1E500] =	vst v63  }
.LBB2_18:
0x146: {  	_ =	sfence.sel $0x180000  }
0x147: {  	[bflag:$0x0] =	sbarrier.arrive $0xFFFF  }
0x148: {  	p0 =	sne.s32 s5, $0x0;
	_ =	strace $0x90000047  }
0x149: {  	s0 =	sadd.s32 @!p0 $0x100000, s0;
	[bflag:$0x2] =	sbarrier.arrive $0xFFFF  }
0x14a: {  	[sflag:s0] =	ssyncadd.tile.s32 @!p0 $0x1;
	_ =	shalt  }
.Lfunc_end2:
_tile_overlayer_lowered:
.L_overlay_start_2:
0x14b: {  	(tag) =	ssettag $0x2  }
0x14c: {  	s0 =	rddreg [dreg:$0x0];
	s2 =	stileid.u32  }
0x14d: {  	s1 =	rddreg [dreg:$0x1];
	p0 =	sne.s32 s2, $0x0  }
0x14e: {  	s3 =	rddreg [dreg:$0x2];
	[bflag:$0x3] =	sbarrier.arrive $0xFFFF;
	s2 =	simm.s32 @!p0 $0x1C03  }
0x14f: {  	[timem:s3], [sflag:s2] =	dma.local @!p0 [hbm:s0], s1  }
0x150: {  	s0 =	simm.s32 @!p0 $0x3  }
0x151: {  	_ =	swait.ge @!p0 [sflag:s0], s1  }
0x152: {  	s1 =	ssub.s32 @!p0 $0x0, s1;
	[sflag:s0] =	ssyncset.done @!p0 $0x0  }
0x153: {  	[sflag:s0] =	ssyncadd.s32 @!p0 s1  }
0x154: {  	[bflag:$0x3] =	sbarrier.arrive $0xFFFF  }
0x155: {  	_ =	shalt  }

</sc_bundles>
